<compile_context>
chip_gen: v7x
topology: tpu7x:2x2x1
jax: 0.10.2.dev20260603
libtpu: 0.0.44.dev20260713+nightly
codegen_flags: <defaults>
</compile_context>

<pallas_src>
import functools

import jax
import jax.numpy as jnp
from jax import lax
from jax.experimental import pallas as pl
from jax.experimental.pallas import tpu as pltpu
from jax.experimental.pallas import tpu_sc as plsc

N = 10000
E = 320000
D = 128

_NC = 2
_NS = 16
_NW = _NC * _NS
_CHUNK = 128
_NCH = 80
_EPT = _NCH * _CHUNK
_EPAD = _NW * _EPT
_RPT = 632
_RPT_LAST = N - 15 * _RPT
_AGG_ROWS = N + _CHUNK
_SPAN = 40
_TSPAN = _SPAN // 2


def _rowcopy(src_ref, dst_ref, sid):
    @pl.when(sid < _NS - 1)
    def _():
        pltpu.sync_copy(src_ref.at[pl.ds(sid * _RPT, _RPT)],
                        dst_ref.at[pl.ds(sid * _RPT, _RPT)])

    @pl.when(sid == _NS - 1)
    def _():
        pltpu.sync_copy(src_ref.at[pl.ds(15 * _RPT, _RPT_LAST)],
                        dst_ref.at[pl.ds(15 * _RPT, _RPT_LAST)])


def _sc_agg_body(h_hbm, src_hbm, dst_hbm, zero_hbm, agg0_hbm, agg1_hbm,
                 agg_sh, idx_s, idx_d, rows0, rows1, sem0, sem1):
    cid = lax.axis_index("c")
    sid = lax.axis_index("s")
    wid = sid * _NC + cid

    pltpu.sync_copy(src_hbm.at[pl.ds(wid * _NCH, _SPAN)], idx_s)
    pltpu.sync_copy(dst_hbm.at[pl.ds(wid * _NCH, _SPAN)], idx_d)
    pltpu.async_copy(h_hbm.at[idx_s.at[0]], rows0, sem0)
    pltpu.async_copy(h_hbm.at[idx_s.at[1]], rows1, sem1)

    @pl.when(cid == 0)
    def _():
        _rowcopy(h_hbm, agg_sh, sid)

    @pl.when(cid != 0)
    def _():
        _rowcopy(zero_hbm, agg_sh, sid)

    plsc.subcore_barrier()

    def span(base, prefetched=False):
        if not prefetched:
            pltpu.sync_copy(src_hbm.at[pl.ds(wid * _NCH + base, _SPAN)],
                            idx_s)
            pltpu.sync_copy(dst_hbm.at[pl.ds(wid * _NCH + base, _SPAN)],
                            idx_d)
            pltpu.async_copy(h_hbm.at[idx_s.at[0]], rows0, sem0)
            pltpu.async_copy(h_hbm.at[idx_s.at[1]], rows1, sem1)

        def it(t, carry):
            c0 = 2 * t
            c1 = c0 + 1
            pltpu.make_async_copy(h_hbm.at[idx_s.at[c0]], rows0, sem0).wait()
            pltpu.sync_copy(rows0, agg_sh.at[idx_d.at[c0]], add=True)

            @pl.when(t < _TSPAN - 1)
            def _():
                pltpu.async_copy(h_hbm.at[idx_s.at[c0 + 2]], rows0, sem0)

            pltpu.make_async_copy(h_hbm.at[idx_s.at[c1]], rows1, sem1).wait()
            pltpu.sync_copy(rows1, agg_sh.at[idx_d.at[c1]], add=True)

            @pl.when(t < _TSPAN - 1)
            def _():
                pltpu.async_copy(h_hbm.at[idx_s.at[c1 + 2]], rows1, sem1)

            return carry

        lax.fori_loop(0, _TSPAN, it, 0)

    span(0, prefetched=True)
    span(_SPAN)

    plsc.subcore_barrier()

    @pl.when(cid == 0)
    def _():
        _rowcopy(agg_sh, agg0_hbm, sid)

    @pl.when(cid != 0)
    def _():
        _rowcopy(agg_sh, agg1_hbm, sid)


def _sc_agg(h, src2d, dst2d, zeros):
    mesh = plsc.VectorSubcoreMesh(core_axis_name="c", subcore_axis_name="s",
                                  num_cores=_NC, num_subcores=_NS)
    f = pl.kernel(
        _sc_agg_body,
        out_type=(jax.ShapeDtypeStruct((N, D), jnp.float32),
                  jax.ShapeDtypeStruct((N, D), jnp.float32)),
        mesh=mesh,
        scratch_types=[
            pltpu.VMEM_SHARED((_AGG_ROWS, D), jnp.float32),
            pltpu.VMEM((_SPAN, _CHUNK), jnp.int32),
            pltpu.VMEM((_SPAN, _CHUNK), jnp.int32),
            pltpu.VMEM((_CHUNK, D), jnp.float32),
            pltpu.VMEM((_CHUNK, D), jnp.float32),
            pltpu.SemaphoreType.DMA,
            pltpu.SemaphoreType.DMA,
        ],
    )
    return f(h, src2d, dst2d, zeros)


def _mlp_block(a0_ref, a1_ref, w1_ref, b1_ref, w2_ref, b2_ref, out_ref, *,
               out_relu):
    z = a0_ref[...] + a1_ref[...]
    z = jnp.maximum(
        jnp.dot(z, w1_ref[...], preferred_element_type=jnp.float32)
        + b1_ref[...], 0.0)
    o = jnp.dot(z, w2_ref[...], preferred_element_type=jnp.float32) + b2_ref[...]
    if out_relu:
        o = jnp.maximum(o, 0.0)
    out_ref[...] = o


def _mlp(a0, a1, w1, b1, w2, b2, out_relu):
    blk = 1000
    return pl.pallas_call(
        functools.partial(_mlp_block, out_relu=out_relu),
        grid=(N // blk,),
        in_specs=[
            pl.BlockSpec((blk, D), lambda i: (i, 0)),
            pl.BlockSpec((blk, D), lambda i: (i, 0)),
            pl.BlockSpec((D, D), lambda i: (0, 0)),
            pl.BlockSpec((1, D), lambda i: (0, 0)),
            pl.BlockSpec((D, D), lambda i: (0, 0)),
            pl.BlockSpec((1, D), lambda i: (0, 0)),
        ],
        out_specs=pl.BlockSpec((blk, D), lambda i: (i, 0)),
        out_shape=jax.ShapeDtypeStruct((N, D), jnp.float32),
    )(a0, a1, w1, b1.reshape(1, D), w2, b2.reshape(1, D))


def kernel(x, edge_index, W1_0, b1_0, W2_0, b2_0, W1_1, b1_1, W2_1, b2_1):
    src = edge_index[0]
    dst = edge_index[1]
    ept_real = E // _NW
    pad_per_tile = _EPT - ept_real
    pad_src = jnp.zeros((_NW, pad_per_tile), jnp.int32)
    pad_dst = jnp.broadcast_to(
        N + (jnp.arange(pad_per_tile, dtype=jnp.int32) % _CHUNK),
        (_NW, pad_per_tile))
    src2d = jnp.concatenate(
        [src.reshape(_NW, ept_real), pad_src], axis=1).reshape(
            _NW * _NCH, _CHUNK)
    dst2d = jnp.concatenate(
        [dst.reshape(_NW, ept_real), pad_dst], axis=1).reshape(
            _NW * _NCH, _CHUNK)
    zeros = jnp.zeros((N, D), jnp.float32)

    a0, a1 = _sc_agg(x, src2d, dst2d, zeros)
    h1 = _mlp(a0, a1, W1_0, b1_0, W2_0, b2_0, out_relu=True)
    a0, a1 = _sc_agg(h1, src2d, dst2d, zeros)
    return _mlp(a0, a1, W1_1, b1_1, W2_1, b2_1, out_relu=False)

# --- scband reference (transcript-rebuilt; emitter-appended) ---
"""Pipeline reference for scband-gin-61340722921819 (READ-ONLY COPY).

The authoritative reference and input builder live on the scoring server;
editing this copy changes nothing except your own understanding.
"""

import jax, jax.numpy as jnp
import numpy as np

N = 10000
E = 320000
D = 128


def setup_inputs(seed: int = 0) -> dict:
    key = jax.random.key(seed)
    ks = jax.random.split(key, 10)
    x = jax.random.normal(ks[0], (N, D), dtype=jnp.float32)
    edge_index = jax.random.randint(ks[1], (2, E), 0, N, dtype=jnp.int32)
    s = 1.0 / np.sqrt(D)
    W1_0 = jax.random.normal(ks[2], (D, D), dtype=jnp.float32) * s
    b1_0 = jnp.zeros((D,), dtype=jnp.float32)
    W2_0 = jax.random.normal(ks[3], (D, D), dtype=jnp.float32) * s
    b2_0 = jnp.zeros((D,), dtype=jnp.float32)
    W1_1 = jax.random.normal(ks[4], (D, D), dtype=jnp.float32) * s
    b1_1 = jnp.zeros((D,), dtype=jnp.float32)
    W2_1 = jax.random.normal(ks[5], (D, D), dtype=jnp.float32) * s
    b2_1 = jnp.zeros((D,), dtype=jnp.float32)
    return {"x": x, "edge_index": edge_index,
            "W1_0": W1_0, "b1_0": b1_0, "W2_0": W2_0, "b2_0": b2_0,
            "W1_1": W1_1, "b1_1": b1_1, "W2_1": W2_1, "b2_1": b2_1}


def reference(x, edge_index, W1_0, b1_0, W2_0, b2_0, W1_1, b1_1, W2_1, b2_1):
    # GIN with eps=0 (PyG default, train_eps=False):
    #   h_i = MLP( (1+eps)*x_i + sum_{j in N(i)} x_j )
    # edge_index[0] = src, edge_index[1] = dst; messages flow src -> dst.
    src = edge_index[0]
    dst = edge_index[1]
    num_nodes = x.shape[0]

    def gin_layer(h, W1, b1, W2, b2):
        msgs = jnp.take(h, src, axis=0)                      # gather (SparseCore)
        agg = jax.ops.segment_sum(msgs, dst, num_segments=num_nodes)  # scatter-add
        z = h + agg                                          # (1+eps)*h with eps=0
        z = jnp.maximum(z @ W1 + b1, 0.0)
        return z @ W2 + b2

    h = gin_layer(x, W1_0, b1_0, W2_0, b2_0)
    h = jnp.maximum(h, 0.0)  # inter-layer ReLU; dropout is identity in eval mode
    h = gin_layer(h, W1_1, b1_1, W2_1, b2_1)
    return h

if __name__ == "__main__":
    import jax
    _d = setup_inputs()
    print(jax.jit(kernel)(*tuple(_d.values())))

</pallas_src>

<mosaic_0001>
#map = affine_map<(d0, d1) -> (0, 0)>
module attributes {stable_mosaic.version = 14 : i64} {
  func.func @_sc_agg_body(%arg0: i32, %arg1: i32, %arg2: memref<10000x128xf32, #tpu.memory_space<hbm>>, %arg3: memref<2560x128xi32, #tpu.memory_space<hbm>>, %arg4: memref<2560x128xi32, #tpu.memory_space<hbm>>, %arg5: memref<10000x128xf32, #tpu.memory_space<hbm>>, %arg6: memref<10000x128xf32, #tpu.memory_space<hbm>>, %arg7: memref<10000x128xf32, #tpu.memory_space<hbm>>, %arg8: memref<10128x128xf32, #tpu.memory_space<vmem_shared>>, %arg9: memref<40x128xi32, #tpu.memory_space<vmem>>, %arg10: memref<40x128xi32, #tpu.memory_space<vmem>>, %arg11: memref<128x128xf32, #tpu.memory_space<vmem>>, %arg12: memref<128x128xf32, #tpu.memory_space<vmem>>, %arg13: memref<!tpu.dma_semaphore, #tpu.memory_space<semaphore_mem>>, %arg14: memref<!tpu.dma_semaphore, #tpu.memory_space<semaphore_mem>>) attributes {dimension_semantics = [#tpu.dimension_semantics<core_parallel>, #tpu.dimension_semantics<subcore_parallel>], iteration_bounds = array<i64: 2, 16>, scalar_prefetch = 0 : i64, scratch_operands = 7 : i64, tpu.core_type = #tpu.core_type<sc_vector_subcore>, window_params = [{transform_indices = #map}, {transform_indices = #map}, {transform_indices = #map}, {transform_indices = #map}, {transform_indices = #map}, {transform_indices = #map}]} {
    %mul3A = arith.constant 2 : i32
    %mul3A_0 = arith.muli %arg1, %mul3A : i32
    %add3A = arith.addi %mul3A_0, %arg0 : i32
    %mul3A_1 = arith.constant 80 : i32
    %mul3A_2 = arith.muli %add3A, %mul3A_1 : i32
    "tpu.region"() ({
      %run_scoped3A = tpu.sem_alloc : memref<!tpu.dma_semaphore, #tpu.memory_space<semaphore_mem>>
      %dma_start3A_68 = arith.constant 0 : i32
      %dma_start3A_69 = tpu.memref_slice %arg3[%mul3A_2, %dma_start3A_68] : memref<2560x128xi32, #tpu.memory_space<hbm>> -> memref<40x128xi32, #tpu.memory_space<hbm>>
      %dma_start3A_70 = arith.constant 0 : i32
      %dma_start3A_71 = tpu.memref_slice %arg3[%mul3A_2, %dma_start3A_70] : memref<2560x128xi32, #tpu.memory_space<hbm>> -> memref<40x128xi32, #tpu.memory_space<hbm>>
      tpu.enqueue_dma source(%dma_start3A_71 : memref<40x128xi32, #tpu.memory_space<hbm>>) target(%arg9 : memref<40x128xi32, #tpu.memory_space<vmem>>) target_semaphore(%run_scoped3A : memref<!tpu.dma_semaphore, #tpu.memory_space<semaphore_mem>>)
      %dma_wait3A = arith.constant 0 : i32
      %dma_wait3A_72 = tpu.memref_slice %arg3[%mul3A_2, %dma_wait3A] : memref<2560x128xi32, #tpu.memory_space<hbm>> -> memref<40x128xi32, #tpu.memory_space<hbm>>
      %dma_wait3A_73 = arith.constant 0 : i32
      %dma_wait3A_74 = tpu.memref_slice %arg3[%mul3A_2, %dma_wait3A_73] : memref<2560x128xi32, #tpu.memory_space<hbm>> -> memref<40x128xi32, #tpu.memory_space<hbm>>
      tpu.wait_dma2 semaphore(%run_scoped3A : memref<!tpu.dma_semaphore, #tpu.memory_space<semaphore_mem>>) src(%dma_wait3A_74 : memref<40x128xi32, #tpu.memory_space<hbm>>) dst(%arg9 : memref<40x128xi32, #tpu.memory_space<vmem>>)
      tpu.yield
    }) : () -> ()
    %mul3A_3 = arith.constant 80 : i32
    %mul3A_4 = arith.muli %add3A, %mul3A_3 : i32
    "tpu.region"() ({
      %run_scoped3A = tpu.sem_alloc : memref<!tpu.dma_semaphore, #tpu.memory_space<semaphore_mem>>
      %dma_start3A_68 = arith.constant 0 : i32
      %dma_start3A_69 = tpu.memref_slice %arg4[%mul3A_4, %dma_start3A_68] : memref<2560x128xi32, #tpu.memory_space<hbm>> -> memref<40x128xi32, #tpu.memory_space<hbm>>
      %dma_start3A_70 = arith.constant 0 : i32
      %dma_start3A_71 = tpu.memref_slice %arg4[%mul3A_4, %dma_start3A_70] : memref<2560x128xi32, #tpu.memory_space<hbm>> -> memref<40x128xi32, #tpu.memory_space<hbm>>
      tpu.enqueue_dma source(%dma_start3A_71 : memref<40x128xi32, #tpu.memory_space<hbm>>) target(%arg10 : memref<40x128xi32, #tpu.memory_space<vmem>>) target_semaphore(%run_scoped3A : memref<!tpu.dma_semaphore, #tpu.memory_space<semaphore_mem>>)
      %dma_wait3A = arith.constant 0 : i32
      %dma_wait3A_72 = tpu.memref_slice %arg4[%mul3A_4, %dma_wait3A] : memref<2560x128xi32, #tpu.memory_space<hbm>> -> memref<40x128xi32, #tpu.memory_space<hbm>>
      %dma_wait3A_73 = arith.constant 0 : i32
      %dma_wait3A_74 = tpu.memref_slice %arg4[%mul3A_4, %dma_wait3A_73] : memref<2560x128xi32, #tpu.memory_space<hbm>> -> memref<40x128xi32, #tpu.memory_space<hbm>>
      tpu.wait_dma2 semaphore(%run_scoped3A : memref<!tpu.dma_semaphore, #tpu.memory_space<semaphore_mem>>) src(%dma_wait3A_74 : memref<40x128xi32, #tpu.memory_space<hbm>>) dst(%arg10 : memref<40x128xi32, #tpu.memory_space<vmem>>)
      tpu.yield
    }) : () -> ()
    %dma_start3A = arith.constant 0 : i32
    %dma_start3A_5 = arith.constant 0 : i32
    %dma_start3A_6 = tpu.memref_slice %arg9[%dma_start3A, %dma_start3A_5] : memref<40x128xi32, #tpu.memory_space<vmem>> -> memref<1x128xi32, #tpu.memory_space<vmem>>
    %dma_start3A_7 = tpu.memref_squeeze %dma_start3A_6 : memref<1x128xi32, #tpu.memory_space<vmem>> -> memref<128xi32, #tpu.memory_space<vmem>>
    %dma_start3A_8 = arith.constant 0 : i32
    %dma_start3A_9 = arith.constant 0 : i32
    %dma_start3A_10 = tpu.memref_slice %arg2[%dma_start3A_8, %dma_start3A_9] : memref<10000x128xf32, #tpu.memory_space<hbm>> -> memref<10000x128xf32, #tpu.memory_space<hbm>>
    tpu.enqueue_indirect_dma source(%dma_start3A_10 : memref<10000x128xf32, #tpu.memory_space<hbm>>) target(%arg11 : memref<128x128xf32, #tpu.memory_space<vmem>>) offsets(%dma_start3A_7 : memref<128xi32, #tpu.memory_space<vmem>>) semaphore(%arg13 : memref<!tpu.dma_semaphore, #tpu.memory_space<semaphore_mem>>)
    %dma_start3A_11 = arith.constant 1 : i32
    %dma_start3A_12 = arith.constant 0 : i32
    %dma_start3A_13 = tpu.memref_slice %arg9[%dma_start3A_11, %dma_start3A_12] : memref<40x128xi32, #tpu.memory_space<vmem>> -> memref<1x128xi32, #tpu.memory_space<vmem>>
    %dma_start3A_14 = tpu.memref_squeeze %dma_start3A_13 : memref<1x128xi32, #tpu.memory_space<vmem>> -> memref<128xi32, #tpu.memory_space<vmem>>
    %dma_start3A_15 = arith.constant 0 : i32
    %dma_start3A_16 = arith.constant 0 : i32
    %dma_start3A_17 = tpu.memref_slice %arg2[%dma_start3A_15, %dma_start3A_16] : memref<10000x128xf32, #tpu.memory_space<hbm>> -> memref<10000x128xf32, #tpu.memory_space<hbm>>
    tpu.enqueue_indirect_dma source(%dma_start3A_17 : memref<10000x128xf32, #tpu.memory_space<hbm>>) target(%arg12 : memref<128x128xf32, #tpu.memory_space<vmem>>) offsets(%dma_start3A_14 : memref<128xi32, #tpu.memory_space<vmem>>) semaphore(%arg14 : memref<!tpu.dma_semaphore, #tpu.memory_space<semaphore_mem>>)
    %eq3A = arith.constant 0 : i32
    %eq3A_18 = arith.cmpi eq, %arg0, %eq3A : i32
    %convert_element_type3A = arith.extui %eq3A_18 : i1 to i32
    %cond3A = arith.constant 0 : i32
    %cond3A_19 = arith.cmpi ne, %convert_element_type3A, %cond3A : i32
    scf.if %cond3A_19 {
      %lt3A = arith.constant 15 : i32
      %lt3A_68 = arith.cmpi slt, %arg1, %lt3A : i32
      %convert_element_type3A_69 = arith.extui %lt3A_68 : i1 to i32
      %cond3A_70 = arith.constant 0 : i32
      %cond3A_71 = arith.cmpi ne, %convert_element_type3A_69, %cond3A_70 : i32
      scf.if %cond3A_71 {
        %mul3A_77 = arith.constant 632 : i32
        %mul3A_78 = arith.muli %arg1, %mul3A_77 : i32
        %mul3A_79 = arith.constant 632 : i32
        %mul3A_80 = arith.muli %arg1, %mul3A_79 : i32
        "tpu.region"() ({
          %run_scoped3A = tpu.sem_alloc : memref<!tpu.dma_semaphore, #tpu.memory_space<semaphore_mem>>
          %dma_start3A_81 = arith.constant 0 : i32
          %dma_start3A_82 = tpu.memref_slice %arg8[%mul3A_80, %dma_start3A_81] : memref<10128x128xf32, #tpu.memory_space<vmem_shared>> -> memref<632x128xf32, #tpu.memory_space<vmem_shared>>
          %dma_start3A_83 = arith.constant 0 : i32
          %dma_start3A_84 = tpu.memref_slice %arg2[%mul3A_78, %dma_start3A_83] : memref<10000x128xf32, #tpu.memory_space<hbm>> -> memref<632x128xf32, #tpu.memory_space<hbm>>
          tpu.enqueue_dma source(%dma_start3A_84 : memref<632x128xf32, #tpu.memory_space<hbm>>) target(%dma_start3A_82 : memref<632x128xf32, #tpu.memory_space<vmem_shared>>) target_semaphore(%run_scoped3A : memref<!tpu.dma_semaphore, #tpu.memory_space<semaphore_mem>>)
          %dma_wait3A = arith.constant 0 : i32
          %dma_wait3A_85 = tpu.memref_slice %arg8[%mul3A_80, %dma_wait3A] : memref<10128x128xf32, #tpu.memory_space<vmem_shared>> -> memref<632x128xf32, #tpu.memory_space<vmem_shared>>
          %dma_wait3A_86 = arith.constant 0 : i32
          %dma_wait3A_87 = tpu.memref_slice %arg2[%mul3A_78, %dma_wait3A_86] : memref<10000x128xf32, #tpu.memory_space<hbm>> -> memref<632x128xf32, #tpu.memory_space<hbm>>
          tpu.wait_dma2 semaphore(%run_scoped3A : memref<!tpu.dma_semaphore, #tpu.memory_space<semaphore_mem>>) src(%dma_wait3A_87 : memref<632x128xf32, #tpu.memory_space<hbm>>) dst(%dma_wait3A_85 : memref<632x128xf32, #tpu.memory_space<vmem_shared>>)
          tpu.yield
        }) : () -> ()
      } else {
      }
      %eq3A_72 = arith.constant 15 : i32
      %eq3A_73 = arith.cmpi eq, %arg1, %eq3A_72 : i32
      %convert_element_type3A_74 = arith.extui %eq3A_73 : i1 to i32
      %cond3A_75 = arith.constant 0 : i32
      %cond3A_76 = arith.cmpi ne, %convert_element_type3A_74, %cond3A_75 : i32
      scf.if %cond3A_76 {
        "tpu.region"() ({
          %run_scoped3A = tpu.sem_alloc : memref<!tpu.dma_semaphore, #tpu.memory_space<semaphore_mem>>
          %dma_start3A_77 = arith.constant 9480 : i32
          %dma_start3A_78 = arith.constant 0 : i32
          %dma_start3A_79 = tpu.memref_slice %arg8[%dma_start3A_77, %dma_start3A_78] : memref<10128x128xf32, #tpu.memory_space<vmem_shared>> -> memref<520x128xf32, #tpu.memory_space<vmem_shared>>
          %dma_start3A_80 = arith.constant 9480 : i32
          %dma_start3A_81 = arith.constant 0 : i32
          %dma_start3A_82 = tpu.memref_slice %arg2[%dma_start3A_80, %dma_start3A_81] : memref<10000x128xf32, #tpu.memory_space<hbm>> -> memref<520x128xf32, #tpu.memory_space<hbm>>
          tpu.enqueue_dma source(%dma_start3A_82 : memref<520x128xf32, #tpu.memory_space<hbm>>) target(%dma_start3A_79 : memref<520x128xf32, #tpu.memory_space<vmem_shared>>) target_semaphore(%run_scoped3A : memref<!tpu.dma_semaphore, #tpu.memory_space<semaphore_mem>>)
          %dma_wait3A = arith.constant 9480 : i32
          %dma_wait3A_83 = arith.constant 0 : i32
          %dma_wait3A_84 = tpu.memref_slice %arg8[%dma_wait3A, %dma_wait3A_83] : memref<10128x128xf32, #tpu.memory_space<vmem_shared>> -> memref<520x128xf32, #tpu.memory_space<vmem_shared>>
          %dma_wait3A_85 = arith.constant 9480 : i32
          %dma_wait3A_86 = arith.constant 0 : i32
          %dma_wait3A_87 = tpu.memref_slice %arg2[%dma_wait3A_85, %dma_wait3A_86] : memref<10000x128xf32, #tpu.memory_space<hbm>> -> memref<520x128xf32, #tpu.memory_space<hbm>>
          tpu.wait_dma2 semaphore(%run_scoped3A : memref<!tpu.dma_semaphore, #tpu.memory_space<semaphore_mem>>) src(%dma_wait3A_87 : memref<520x128xf32, #tpu.memory_space<hbm>>) dst(%dma_wait3A_84 : memref<520x128xf32, #tpu.memory_space<vmem_shared>>)
          tpu.yield
        }) : () -> ()
      } else {
      }
    } else {
    }
    %ne3A = arith.constant 0 : i32
    %ne3A_20 = arith.cmpi ne, %arg0, %ne3A : i32
    %convert_element_type3A_21 = arith.extui %ne3A_20 : i1 to i32
    %cond3A_22 = arith.constant 0 : i32
    %cond3A_23 = arith.cmpi ne, %convert_element_type3A_21, %cond3A_22 : i32
    scf.if %cond3A_23 {
      %lt3A = arith.constant 15 : i32
      %lt3A_68 = arith.cmpi slt, %arg1, %lt3A : i32
      %convert_element_type3A_69 = arith.extui %lt3A_68 : i1 to i32
      %cond3A_70 = arith.constant 0 : i32
      %cond3A_71 = arith.cmpi ne, %convert_element_type3A_69, %cond3A_70 : i32
      scf.if %cond3A_71 {
        %mul3A_77 = arith.constant 632 : i32
        %mul3A_78 = arith.muli %arg1, %mul3A_77 : i32
        %mul3A_79 = arith.constant 632 : i32
        %mul3A_80 = arith.muli %arg1, %mul3A_79 : i32
        "tpu.region"() ({
          %run_scoped3A = tpu.sem_alloc : memref<!tpu.dma_semaphore, #tpu.memory_space<semaphore_mem>>
          %dma_start3A_81 = arith.constant 0 : i32
          %dma_start3A_82 = tpu.memref_slice %arg8[%mul3A_80, %dma_start3A_81] : memref<10128x128xf32, #tpu.memory_space<vmem_shared>> -> memref<632x128xf32, #tpu.memory_space<vmem_shared>>
          %dma_start3A_83 = arith.constant 0 : i32
          %dma_start3A_84 = tpu.memref_slice %arg5[%mul3A_78, %dma_start3A_83] : memref<10000x128xf32, #tpu.memory_space<hbm>> -> memref<632x128xf32, #tpu.memory_space<hbm>>
          tpu.enqueue_dma source(%dma_start3A_84 : memref<632x128xf32, #tpu.memory_space<hbm>>) target(%dma_start3A_82 : memref<632x128xf32, #tpu.memory_space<vmem_shared>>) target_semaphore(%run_scoped3A : memref<!tpu.dma_semaphore, #tpu.memory_space<semaphore_mem>>)
          %dma_wait3A = arith.constant 0 : i32
          %dma_wait3A_85 = tpu.memref_slice %arg8[%mul3A_80, %dma_wait3A] : memref<10128x128xf32, #tpu.memory_space<vmem_shared>> -> memref<632x128xf32, #tpu.memory_space<vmem_shared>>
          %dma_wait3A_86 = arith.constant 0 : i32
          %dma_wait3A_87 = tpu.memref_slice %arg5[%mul3A_78, %dma_wait3A_86] : memref<10000x128xf32, #tpu.memory_space<hbm>> -> memref<632x128xf32, #tpu.memory_space<hbm>>
          tpu.wait_dma2 semaphore(%run_scoped3A : memref<!tpu.dma_semaphore, #tpu.memory_space<semaphore_mem>>) src(%dma_wait3A_87 : memref<632x128xf32, #tpu.memory_space<hbm>>) dst(%dma_wait3A_85 : memref<632x128xf32, #tpu.memory_space<vmem_shared>>)
          tpu.yield
        }) : () -> ()
      } else {
      }
      %eq3A_72 = arith.constant 15 : i32
      %eq3A_73 = arith.cmpi eq, %arg1, %eq3A_72 : i32
      %convert_element_type3A_74 = arith.extui %eq3A_73 : i1 to i32
      %cond3A_75 = arith.constant 0 : i32
      %cond3A_76 = arith.cmpi ne, %convert_element_type3A_74, %cond3A_75 : i32
      scf.if %cond3A_76 {
        "tpu.region"() ({
          %run_scoped3A = tpu.sem_alloc : memref<!tpu.dma_semaphore, #tpu.memory_space<semaphore_mem>>
          %dma_start3A_77 = arith.constant 9480 : i32
          %dma_start3A_78 = arith.constant 0 : i32
          %dma_start3A_79 = tpu.memref_slice %arg8[%dma_start3A_77, %dma_start3A_78] : memref<10128x128xf32, #tpu.memory_space<vmem_shared>> -> memref<520x128xf32, #tpu.memory_space<vmem_shared>>
          %dma_start3A_80 = arith.constant 9480 : i32
          %dma_start3A_81 = arith.constant 0 : i32
          %dma_start3A_82 = tpu.memref_slice %arg5[%dma_start3A_80, %dma_start3A_81] : memref<10000x128xf32, #tpu.memory_space<hbm>> -> memref<520x128xf32, #tpu.memory_space<hbm>>
          tpu.enqueue_dma source(%dma_start3A_82 : memref<520x128xf32, #tpu.memory_space<hbm>>) target(%dma_start3A_79 : memref<520x128xf32, #tpu.memory_space<vmem_shared>>) target_semaphore(%run_scoped3A : memref<!tpu.dma_semaphore, #tpu.memory_space<semaphore_mem>>)
          %dma_wait3A = arith.constant 9480 : i32
          %dma_wait3A_83 = arith.constant 0 : i32
          %dma_wait3A_84 = tpu.memref_slice %arg8[%dma_wait3A, %dma_wait3A_83] : memref<10128x128xf32, #tpu.memory_space<vmem_shared>> -> memref<520x128xf32, #tpu.memory_space<vmem_shared>>
          %dma_wait3A_85 = arith.constant 9480 : i32
          %dma_wait3A_86 = arith.constant 0 : i32
          %dma_wait3A_87 = tpu.memref_slice %arg5[%dma_wait3A_85, %dma_wait3A_86] : memref<10000x128xf32, #tpu.memory_space<hbm>> -> memref<520x128xf32, #tpu.memory_space<hbm>>
          tpu.wait_dma2 semaphore(%run_scoped3A : memref<!tpu.dma_semaphore, #tpu.memory_space<semaphore_mem>>) src(%dma_wait3A_87 : memref<520x128xf32, #tpu.memory_space<hbm>>) dst(%dma_wait3A_84 : memref<520x128xf32, #tpu.memory_space<vmem_shared>>)
          tpu.yield
        }) : () -> ()
      } else {
      }
    } else {
    }
    %barrier3A = arith.constant 0 : index
    tpu.barrier barrier_id(%barrier3A)
    %scan3A = arith.constant 0 : i32
    %scan3A_24 = arith.constant 0 : i32
    %scan3A_25 = arith.constant 20 : i32
    %scan3A_26 = arith.addi %scan3A_24, %scan3A_25 : i32
    %scan3A_27 = arith.constant 1 : i32
    scf.for %scan3A_68 = %scan3A_24 to %scan3A_26 step %scan3A_27  : i32 {
      %mul3A_69 = arith.constant 2 : i32
      %mul3A_70 = arith.muli %mul3A_69, %scan3A_68 : i32
      %add3A_71 = arith.constant 1 : i32
      %add3A_72 = arith.addi %mul3A_70, %add3A_71 : i32
      %dma_wait3A = arith.constant 0 : i32
      %dma_wait3A_73 = tpu.memref_slice %arg9[%mul3A_70, %dma_wait3A] : memref<40x128xi32, #tpu.memory_space<vmem>> -> memref<1x128xi32, #tpu.memory_space<vmem>>
      %dma_wait3A_74 = tpu.memref_squeeze %dma_wait3A_73 : memref<1x128xi32, #tpu.memory_space<vmem>> -> memref<128xi32, #tpu.memory_space<vmem>>
      %dma_wait3A_75 = arith.constant 0 : i32
      %dma_wait3A_76 = arith.constant 0 : i32
      %dma_wait3A_77 = tpu.memref_slice %arg2[%dma_wait3A_75, %dma_wait3A_76] : memref<10000x128xf32, #tpu.memory_space<hbm>> -> memref<10000x128xf32, #tpu.memory_space<hbm>>
      tpu.wait_indirect_dma semaphore(%arg13 : memref<!tpu.dma_semaphore, #tpu.memory_space<semaphore_mem>>) src(%dma_wait3A_77 : memref<10000x128xf32, #tpu.memory_space<hbm>>) dst(%arg11 : memref<128x128xf32, #tpu.memory_space<vmem>>)
      "tpu.region"() ({
        %run_scoped3A = tpu.sem_alloc : memref<!tpu.dma_semaphore, #tpu.memory_space<semaphore_mem>>
        %dma_start3A_93 = arith.constant 0 : i32
        %dma_start3A_94 = tpu.memref_slice %arg10[%mul3A_70, %dma_start3A_93] : memref<40x128xi32, #tpu.memory_space<vmem>> -> memref<1x128xi32, #tpu.memory_space<vmem>>
        %dma_start3A_95 = tpu.memref_squeeze %dma_start3A_94 : memref<1x128xi32, #tpu.memory_space<vmem>> -> memref<128xi32, #tpu.memory_space<vmem>>
        %dma_start3A_96 = arith.constant 0 : i32
        %dma_start3A_97 = arith.constant 0 : i32
        %dma_start3A_98 = tpu.memref_slice %arg8[%dma_start3A_96, %dma_start3A_97] : memref<10128x128xf32, #tpu.memory_space<vmem_shared>> -> memref<10128x128xf32, #tpu.memory_space<vmem_shared>>
        tpu.enqueue_indirect_dma source(%arg11 : memref<128x128xf32, #tpu.memory_space<vmem>>) target(%dma_start3A_98 : memref<10128x128xf32, #tpu.memory_space<vmem_shared>>) offsets(%dma_start3A_95 : memref<128xi32, #tpu.memory_space<vmem>>) semaphore(%run_scoped3A : memref<!tpu.dma_semaphore, #tpu.memory_space<semaphore_mem>>) {add = true}
        %dma_wait3A_99 = arith.constant 0 : i32
        %dma_wait3A_100 = tpu.memref_slice %arg10[%mul3A_70, %dma_wait3A_99] : memref<40x128xi32, #tpu.memory_space<vmem>> -> memref<1x128xi32, #tpu.memory_space<vmem>>
        %dma_wait3A_101 = tpu.memref_squeeze %dma_wait3A_100 : memref<1x128xi32, #tpu.memory_space<vmem>> -> memref<128xi32, #tpu.memory_space<vmem>>
        %dma_wait3A_102 = arith.constant 0 : i32
        %dma_wait3A_103 = arith.constant 0 : i32
        %dma_wait3A_104 = tpu.memref_slice %arg8[%dma_wait3A_102, %dma_wait3A_103] : memref<10128x128xf32, #tpu.memory_space<vmem_shared>> -> memref<10128x128xf32, #tpu.memory_space<vmem_shared>>
        tpu.wait_indirect_dma semaphore(%run_scoped3A : memref<!tpu.dma_semaphore, #tpu.memory_space<semaphore_mem>>) src(%arg11 : memref<128x128xf32, #tpu.memory_space<vmem>>) dst(%dma_wait3A_104 : memref<10128x128xf32, #tpu.memory_space<vmem_shared>>)
        tpu.yield
      }) : () -> ()
      %lt3A = arith.constant 19 : i32
      %lt3A_78 = arith.cmpi slt, %scan3A_68, %lt3A : i32
      %convert_element_type3A_79 = arith.extui %lt3A_78 : i1 to i32
      %cond3A_80 = arith.constant 0 : i32
      %cond3A_81 = arith.cmpi ne, %convert_element_type3A_79, %cond3A_80 : i32
      scf.if %cond3A_81 {
        %add3A_93 = arith.constant 2 : i32
        %add3A_94 = arith.addi %mul3A_70, %add3A_93 : i32
        %dma_start3A_95 = arith.constant 0 : i32
        %dma_start3A_96 = tpu.memref_slice %arg9[%add3A_94, %dma_start3A_95] : memref<40x128xi32, #tpu.memory_space<vmem>> -> memref<1x128xi32, #tpu.memory_space<vmem>>
        %dma_start3A_97 = tpu.memref_squeeze %dma_start3A_96 : memref<1x128xi32, #tpu.memory_space<vmem>> -> memref<128xi32, #tpu.memory_space<vmem>>
        %dma_start3A_98 = arith.constant 0 : i32
        %dma_start3A_99 = arith.constant 0 : i32
        %dma_start3A_100 = tpu.memref_slice %arg2[%dma_start3A_98, %dma_start3A_99] : memref<10000x128xf32, #tpu.memory_space<hbm>> -> memref<10000x128xf32, #tpu.memory_space<hbm>>
        tpu.enqueue_indirect_dma source(%dma_start3A_100 : memref<10000x128xf32, #tpu.memory_space<hbm>>) target(%arg11 : memref<128x128xf32, #tpu.memory_space<vmem>>) offsets(%dma_start3A_97 : memref<128xi32, #tpu.memory_space<vmem>>) semaphore(%arg13 : memref<!tpu.dma_semaphore, #tpu.memory_space<semaphore_mem>>)
      } else {
      }
      %dma_wait3A_82 = arith.constant 0 : i32
      %dma_wait3A_83 = tpu.memref_slice %arg9[%add3A_72, %dma_wait3A_82] : memref<40x128xi32, #tpu.memory_space<vmem>> -> memref<1x128xi32, #tpu.memory_space<vmem>>
      %dma_wait3A_84 = tpu.memref_squeeze %dma_wait3A_83 : memref<1x128xi32, #tpu.memory_space<vmem>> -> memref<128xi32, #tpu.memory_space<vmem>>
      %dma_wait3A_85 = arith.constant 0 : i32
      %dma_wait3A_86 = arith.constant 0 : i32
      %dma_wait3A_87 = tpu.memref_slice %arg2[%dma_wait3A_85, %dma_wait3A_86] : memref<10000x128xf32, #tpu.memory_space<hbm>> -> memref<10000x128xf32, #tpu.memory_space<hbm>>
      tpu.wait_indirect_dma semaphore(%arg14 : memref<!tpu.dma_semaphore, #tpu.memory_space<semaphore_mem>>) src(%dma_wait3A_87 : memref<10000x128xf32, #tpu.memory_space<hbm>>) dst(%arg12 : memref<128x128xf32, #tpu.memory_space<vmem>>)
      "tpu.region"() ({
        %run_scoped3A = tpu.sem_alloc : memref<!tpu.dma_semaphore, #tpu.memory_space<semaphore_mem>>
        %dma_start3A_93 = arith.constant 0 : i32
        %dma_start3A_94 = tpu.memref_slice %arg10[%add3A_72, %dma_start3A_93] : memref<40x128xi32, #tpu.memory_space<vmem>> -> memref<1x128xi32, #tpu.memory_space<vmem>>
        %dma_start3A_95 = tpu.memref_squeeze %dma_start3A_94 : memref<1x128xi32, #tpu.memory_space<vmem>> -> memref<128xi32, #tpu.memory_space<vmem>>
        %dma_start3A_96 = arith.constant 0 : i32
        %dma_start3A_97 = arith.constant 0 : i32
        %dma_start3A_98 = tpu.memref_slice %arg8[%dma_start3A_96, %dma_start3A_97] : memref<10128x128xf32, #tpu.memory_space<vmem_shared>> -> memref<10128x128xf32, #tpu.memory_space<vmem_shared>>
        tpu.enqueue_indirect_dma source(%arg12 : memref<128x128xf32, #tpu.memory_space<vmem>>) target(%dma_start3A_98 : memref<10128x128xf32, #tpu.memory_space<vmem_shared>>) offsets(%dma_start3A_95 : memref<128xi32, #tpu.memory_space<vmem>>) semaphore(%run_scoped3A : memref<!tpu.dma_semaphore, #tpu.memory_space<semaphore_mem>>) {add = true}
        %dma_wait3A_99 = arith.constant 0 : i32
        %dma_wait3A_100 = tpu.memref_slice %arg10[%add3A_72, %dma_wait3A_99] : memref<40x128xi32, #tpu.memory_space<vmem>> -> memref<1x128xi32, #tpu.memory_space<vmem>>
        %dma_wait3A_101 = tpu.memref_squeeze %dma_wait3A_100 : memref<1x128xi32, #tpu.memory_space<vmem>> -> memref<128xi32, #tpu.memory_space<vmem>>
        %dma_wait3A_102 = arith.constant 0 : i32
        %dma_wait3A_103 = arith.constant 0 : i32
        %dma_wait3A_104 = tpu.memref_slice %arg8[%dma_wait3A_102, %dma_wait3A_103] : memref<10128x128xf32, #tpu.memory_space<vmem_shared>> -> memref<10128x128xf32, #tpu.memory_space<vmem_shared>>
        tpu.wait_indirect_dma semaphore(%run_scoped3A : memref<!tpu.dma_semaphore, #tpu.memory_space<semaphore_mem>>) src(%arg12 : memref<128x128xf32, #tpu.memory_space<vmem>>) dst(%dma_wait3A_104 : memref<10128x128xf32, #tpu.memory_space<vmem_shared>>)
        tpu.yield
      }) : () -> ()
      %lt3A_88 = arith.constant 19 : i32
      %lt3A_89 = arith.cmpi slt, %scan3A_68, %lt3A_88 : i32
      %convert_element_type3A_90 = arith.extui %lt3A_89 : i1 to i32
      %cond3A_91 = arith.constant 0 : i32
      %cond3A_92 = arith.cmpi ne, %convert_element_type3A_90, %cond3A_91 : i32
      scf.if %cond3A_92 {
        %add3A_93 = arith.constant 2 : i32
        %add3A_94 = arith.addi %add3A_72, %add3A_93 : i32
        %dma_start3A_95 = arith.constant 0 : i32
        %dma_start3A_96 = tpu.memref_slice %arg9[%add3A_94, %dma_start3A_95] : memref<40x128xi32, #tpu.memory_space<vmem>> -> memref<1x128xi32, #tpu.memory_space<vmem>>
        %dma_start3A_97 = tpu.memref_squeeze %dma_start3A_96 : memref<1x128xi32, #tpu.memory_space<vmem>> -> memref<128xi32, #tpu.memory_space<vmem>>
        %dma_start3A_98 = arith.constant 0 : i32
        %dma_start3A_99 = arith.constant 0 : i32
        %dma_start3A_100 = tpu.memref_slice %arg2[%dma_start3A_98, %dma_start3A_99] : memref<10000x128xf32, #tpu.memory_space<hbm>> -> memref<10000x128xf32, #tpu.memory_space<hbm>>
        tpu.enqueue_indirect_dma source(%dma_start3A_100 : memref<10000x128xf32, #tpu.memory_space<hbm>>) target(%arg12 : memref<128x128xf32, #tpu.memory_space<vmem>>) offsets(%dma_start3A_97 : memref<128xi32, #tpu.memory_space<vmem>>) semaphore(%arg14 : memref<!tpu.dma_semaphore, #tpu.memory_space<semaphore_mem>>)
      } else {
      }
    }
    %scan3A_28 = arith.constant 20 : i32
    %mul3A_29 = arith.constant 80 : i32
    %mul3A_30 = arith.muli %add3A, %mul3A_29 : i32
    %add3A_31 = arith.constant 40 : i32
    %add3A_32 = arith.addi %mul3A_30, %add3A_31 : i32
    "tpu.region"() ({
      %run_scoped3A = tpu.sem_alloc : memref<!tpu.dma_semaphore, #tpu.memory_space<semaphore_mem>>
      %dma_start3A_68 = arith.constant 0 : i32
      %dma_start3A_69 = tpu.memref_slice %arg3[%add3A_32, %dma_start3A_68] : memref<2560x128xi32, #tpu.memory_space<hbm>> -> memref<40x128xi32, #tpu.memory_space<hbm>>
      %dma_start3A_70 = arith.constant 0 : i32
      %dma_start3A_71 = tpu.memref_slice %arg3[%add3A_32, %dma_start3A_70] : memref<2560x128xi32, #tpu.memory_space<hbm>> -> memref<40x128xi32, #tpu.memory_space<hbm>>
      tpu.enqueue_dma source(%dma_start3A_71 : memref<40x128xi32, #tpu.memory_space<hbm>>) target(%arg9 : memref<40x128xi32, #tpu.memory_space<vmem>>) target_semaphore(%run_scoped3A : memref<!tpu.dma_semaphore, #tpu.memory_space<semaphore_mem>>)
      %dma_wait3A = arith.constant 0 : i32
      %dma_wait3A_72 = tpu.memref_slice %arg3[%add3A_32, %dma_wait3A] : memref<2560x128xi32, #tpu.memory_space<hbm>> -> memref<40x128xi32, #tpu.memory_space<hbm>>
      %dma_wait3A_73 = arith.constant 0 : i32
      %dma_wait3A_74 = tpu.memref_slice %arg3[%add3A_32, %dma_wait3A_73] : memref<2560x128xi32, #tpu.memory_space<hbm>> -> memref<40x128xi32, #tpu.memory_space<hbm>>
      tpu.wait_dma2 semaphore(%run_scoped3A : memref<!tpu.dma_semaphore, #tpu.memory_space<semaphore_mem>>) src(%dma_wait3A_74 : memref<40x128xi32, #tpu.memory_space<hbm>>) dst(%arg9 : memref<40x128xi32, #tpu.memory_space<vmem>>)
      tpu.yield
    }) : () -> ()
    %mul3A_33 = arith.constant 80 : i32
    %mul3A_34 = arith.muli %add3A, %mul3A_33 : i32
    %add3A_35 = arith.constant 40 : i32
    %add3A_36 = arith.addi %mul3A_34, %add3A_35 : i32
    "tpu.region"() ({
      %run_scoped3A = tpu.sem_alloc : memref<!tpu.dma_semaphore, #tpu.memory_space<semaphore_mem>>
      %dma_start3A_68 = arith.constant 0 : i32
      %dma_start3A_69 = tpu.memref_slice %arg4[%add3A_36, %dma_start3A_68] : memref<2560x128xi32, #tpu.memory_space<hbm>> -> memref<40x128xi32, #tpu.memory_space<hbm>>
      %dma_start3A_70 = arith.constant 0 : i32
      %dma_start3A_71 = tpu.memref_slice %arg4[%add3A_36, %dma_start3A_70] : memref<2560x128xi32, #tpu.memory_space<hbm>> -> memref<40x128xi32, #tpu.memory_space<hbm>>
      tpu.enqueue_dma source(%dma_start3A_71 : memref<40x128xi32, #tpu.memory_space<hbm>>) target(%arg10 : memref<40x128xi32, #tpu.memory_space<vmem>>) target_semaphore(%run_scoped3A : memref<!tpu.dma_semaphore, #tpu.memory_space<semaphore_mem>>)
      %dma_wait3A = arith.constant 0 : i32
      %dma_wait3A_72 = tpu.memref_slice %arg4[%add3A_36, %dma_wait3A] : memref<2560x128xi32, #tpu.memory_space<hbm>> -> memref<40x128xi32, #tpu.memory_space<hbm>>
      %dma_wait3A_73 = arith.constant 0 : i32
      %dma_wait3A_74 = tpu.memref_slice %arg4[%add3A_36, %dma_wait3A_73] : memref<2560x128xi32, #tpu.memory_space<hbm>> -> memref<40x128xi32, #tpu.memory_space<hbm>>
      tpu.wait_dma2 semaphore(%run_scoped3A : memref<!tpu.dma_semaphore, #tpu.memory_space<semaphore_mem>>) src(%dma_wait3A_74 : memref<40x128xi32, #tpu.memory_space<hbm>>) dst(%arg10 : memref<40x128xi32, #tpu.memory_space<vmem>>)
      tpu.yield
    }) : () -> ()
    %dma_start3A_37 = arith.constant 0 : i32
    %dma_start3A_38 = arith.constant 0 : i32
    %dma_start3A_39 = tpu.memref_slice %arg9[%dma_start3A_37, %dma_start3A_38] : memref<40x128xi32, #tpu.memory_space<vmem>> -> memref<1x128xi32, #tpu.memory_space<vmem>>
    %dma_start3A_40 = tpu.memref_squeeze %dma_start3A_39 : memref<1x128xi32, #tpu.memory_space<vmem>> -> memref<128xi32, #tpu.memory_space<vmem>>
    %dma_start3A_41 = arith.constant 0 : i32
    %dma_start3A_42 = arith.constant 0 : i32
    %dma_start3A_43 = tpu.memref_slice %arg2[%dma_start3A_41, %dma_start3A_42] : memref<10000x128xf32, #tpu.memory_space<hbm>> -> memref<10000x128xf32, #tpu.memory_space<hbm>>
    tpu.enqueue_indirect_dma source(%dma_start3A_43 : memref<10000x128xf32, #tpu.memory_space<hbm>>) target(%arg11 : memref<128x128xf32, #tpu.memory_space<vmem>>) offsets(%dma_start3A_40 : memref<128xi32, #tpu.memory_space<vmem>>) semaphore(%arg13 : memref<!tpu.dma_semaphore, #tpu.memory_space<semaphore_mem>>)
    %dma_start3A_44 = arith.constant 1 : i32
    %dma_start3A_45 = arith.constant 0 : i32
    %dma_start3A_46 = tpu.memref_slice %arg9[%dma_start3A_44, %dma_start3A_45] : memref<40x128xi32, #tpu.memory_space<vmem>> -> memref<1x128xi32, #tpu.memory_space<vmem>>
    %dma_start3A_47 = tpu.memref_squeeze %dma_start3A_46 : memref<1x128xi32, #tpu.memory_space<vmem>> -> memref<128xi32, #tpu.memory_space<vmem>>
    %dma_start3A_48 = arith.constant 0 : i32
    %dma_start3A_49 = arith.constant 0 : i32
    %dma_start3A_50 = tpu.memref_slice %arg2[%dma_start3A_48, %dma_start3A_49] : memref<10000x128xf32, #tpu.memory_space<hbm>> -> memref<10000x128xf32, #tpu.memory_space<hbm>>
    tpu.enqueue_indirect_dma source(%dma_start3A_50 : memref<10000x128xf32, #tpu.memory_space<hbm>>) target(%arg12 : memref<128x128xf32, #tpu.memory_space<vmem>>) offsets(%dma_start3A_47 : memref<128xi32, #tpu.memory_space<vmem>>) semaphore(%arg14 : memref<!tpu.dma_semaphore, #tpu.memory_space<semaphore_mem>>)
    %scan3A_51 = arith.constant 0 : i32
    %scan3A_52 = arith.constant 0 : i32
    %scan3A_53 = arith.constant 20 : i32
    %scan3A_54 = arith.addi %scan3A_52, %scan3A_53 : i32
    %scan3A_55 = arith.constant 1 : i32
    scf.for %scan3A_68 = %scan3A_52 to %scan3A_54 step %scan3A_55  : i32 {
      %mul3A_69 = arith.constant 2 : i32
      %mul3A_70 = arith.muli %mul3A_69, %scan3A_68 : i32
      %add3A_71 = arith.constant 1 : i32
      %add3A_72 = arith.addi %mul3A_70, %add3A_71 : i32
      %dma_wait3A = arith.constant 0 : i32
      %dma_wait3A_73 = tpu.memref_slice %arg9[%mul3A_70, %dma_wait3A] : memref<40x128xi32, #tpu.memory_space<vmem>> -> memref<1x128xi32, #tpu.memory_space<vmem>>
      %dma_wait3A_74 = tpu.memref_squeeze %dma_wait3A_73 : memref<1x128xi32, #tpu.memory_space<vmem>> -> memref<128xi32, #tpu.memory_space<vmem>>
      %dma_wait3A_75 = arith.constant 0 : i32
      %dma_wait3A_76 = arith.constant 0 : i32
      %dma_wait3A_77 = tpu.memref_slice %arg2[%dma_wait3A_75, %dma_wait3A_76] : memref<10000x128xf32, #tpu.memory_space<hbm>> -> memref<10000x128xf32, #tpu.memory_space<hbm>>
      tpu.wait_indirect_dma semaphore(%arg13 : memref<!tpu.dma_semaphore, #tpu.memory_space<semaphore_mem>>) src(%dma_wait3A_77 : memref<10000x128xf32, #tpu.memory_space<hbm>>) dst(%arg11 : memref<128x128xf32, #tpu.memory_space<vmem>>)
      "tpu.region"() ({
        %run_scoped3A = tpu.sem_alloc : memref<!tpu.dma_semaphore, #tpu.memory_space<semaphore_mem>>
        %dma_start3A_93 = arith.constant 0 : i32
        %dma_start3A_94 = tpu.memref_slice %arg10[%mul3A_70, %dma_start3A_93] : memref<40x128xi32, #tpu.memory_space<vmem>> -> memref<1x128xi32, #tpu.memory_space<vmem>>
        %dma_start3A_95 = tpu.memref_squeeze %dma_start3A_94 : memref<1x128xi32, #tpu.memory_space<vmem>> -> memref<128xi32, #tpu.memory_space<vmem>>
        %dma_start3A_96 = arith.constant 0 : i32
        %dma_start3A_97 = arith.constant 0 : i32
        %dma_start3A_98 = tpu.memref_slice %arg8[%dma_start3A_96, %dma_start3A_97] : memref<10128x128xf32, #tpu.memory_space<vmem_shared>> -> memref<10128x128xf32, #tpu.memory_space<vmem_shared>>
        tpu.enqueue_indirect_dma source(%arg11 : memref<128x128xf32, #tpu.memory_space<vmem>>) target(%dma_start3A_98 : memref<10128x128xf32, #tpu.memory_space<vmem_shared>>) offsets(%dma_start3A_95 : memref<128xi32, #tpu.memory_space<vmem>>) semaphore(%run_scoped3A : memref<!tpu.dma_semaphore, #tpu.memory_space<semaphore_mem>>) {add = true}
        %dma_wait3A_99 = arith.constant 0 : i32
        %dma_wait3A_100 = tpu.memref_slice %arg10[%mul3A_70, %dma_wait3A_99] : memref<40x128xi32, #tpu.memory_space<vmem>> -> memref<1x128xi32, #tpu.memory_space<vmem>>
        %dma_wait3A_101 = tpu.memref_squeeze %dma_wait3A_100 : memref<1x128xi32, #tpu.memory_space<vmem>> -> memref<128xi32, #tpu.memory_space<vmem>>
        %dma_wait3A_102 = arith.constant 0 : i32
        %dma_wait3A_103 = arith.constant 0 : i32
        %dma_wait3A_104 = tpu.memref_slice %arg8[%dma_wait3A_102, %dma_wait3A_103] : memref<10128x128xf32, #tpu.memory_space<vmem_shared>> -> memref<10128x128xf32, #tpu.memory_space<vmem_shared>>
        tpu.wait_indirect_dma semaphore(%run_scoped3A : memref<!tpu.dma_semaphore, #tpu.memory_space<semaphore_mem>>) src(%arg11 : memref<128x128xf32, #tpu.memory_space<vmem>>) dst(%dma_wait3A_104 : memref<10128x128xf32, #tpu.memory_space<vmem_shared>>)
        tpu.yield
      }) : () -> ()
      %lt3A = arith.constant 19 : i32
      %lt3A_78 = arith.cmpi slt, %scan3A_68, %lt3A : i32
      %convert_element_type3A_79 = arith.extui %lt3A_78 : i1 to i32
      %cond3A_80 = arith.constant 0 : i32
      %cond3A_81 = arith.cmpi ne, %convert_element_type3A_79, %cond3A_80 : i32
      scf.if %cond3A_81 {
        %add3A_93 = arith.constant 2 : i32
        %add3A_94 = arith.addi %mul3A_70, %add3A_93 : i32
        %dma_start3A_95 = arith.constant 0 : i32
        %dma_start3A_96 = tpu.memref_slice %arg9[%add3A_94, %dma_start3A_95] : memref<40x128xi32, #tpu.memory_space<vmem>> -> memref<1x128xi32, #tpu.memory_space<vmem>>
        %dma_start3A_97 = tpu.memref_squeeze %dma_start3A_96 : memref<1x128xi32, #tpu.memory_space<vmem>> -> memref<128xi32, #tpu.memory_space<vmem>>
        %dma_start3A_98 = arith.constant 0 : i32
        %dma_start3A_99 = arith.constant 0 : i32
        %dma_start3A_100 = tpu.memref_slice %arg2[%dma_start3A_98, %dma_start3A_99] : memref<10000x128xf32, #tpu.memory_space<hbm>> -> memref<10000x128xf32, #tpu.memory_space<hbm>>
        tpu.enqueue_indirect_dma source(%dma_start3A_100 : memref<10000x128xf32, #tpu.memory_space<hbm>>) target(%arg11 : memref<128x128xf32, #tpu.memory_space<vmem>>) offsets(%dma_start3A_97 : memref<128xi32, #tpu.memory_space<vmem>>) semaphore(%arg13 : memref<!tpu.dma_semaphore, #tpu.memory_space<semaphore_mem>>)
      } else {
      }
      %dma_wait3A_82 = arith.constant 0 : i32
      %dma_wait3A_83 = tpu.memref_slice %arg9[%add3A_72, %dma_wait3A_82] : memref<40x128xi32, #tpu.memory_space<vmem>> -> memref<1x128xi32, #tpu.memory_space<vmem>>
      %dma_wait3A_84 = tpu.memref_squeeze %dma_wait3A_83 : memref<1x128xi32, #tpu.memory_space<vmem>> -> memref<128xi32, #tpu.memory_space<vmem>>
      %dma_wait3A_85 = arith.constant 0 : i32
      %dma_wait3A_86 = arith.constant 0 : i32
      %dma_wait3A_87 = tpu.memref_slice %arg2[%dma_wait3A_85, %dma_wait3A_86] : memref<10000x128xf32, #tpu.memory_space<hbm>> -> memref<10000x128xf32, #tpu.memory_space<hbm>>
      tpu.wait_indirect_dma semaphore(%arg14 : memref<!tpu.dma_semaphore, #tpu.memory_space<semaphore_mem>>) src(%dma_wait3A_87 : memref<10000x128xf32, #tpu.memory_space<hbm>>) dst(%arg12 : memref<128x128xf32, #tpu.memory_space<vmem>>)
      "tpu.region"() ({
        %run_scoped3A = tpu.sem_alloc : memref<!tpu.dma_semaphore, #tpu.memory_space<semaphore_mem>>
        %dma_start3A_93 = arith.constant 0 : i32
        %dma_start3A_94 = tpu.memref_slice %arg10[%add3A_72, %dma_start3A_93] : memref<40x128xi32, #tpu.memory_space<vmem>> -> memref<1x128xi32, #tpu.memory_space<vmem>>
        %dma_start3A_95 = tpu.memref_squeeze %dma_start3A_94 : memref<1x128xi32, #tpu.memory_space<vmem>> -> memref<128xi32, #tpu.memory_space<vmem>>
        %dma_start3A_96 = arith.constant 0 : i32
        %dma_start3A_97 = arith.constant 0 : i32
        %dma_start3A_98 = tpu.memref_slice %arg8[%dma_start3A_96, %dma_start3A_97] : memref<10128x128xf32, #tpu.memory_space<vmem_shared>> -> memref<10128x128xf32, #tpu.memory_space<vmem_shared>>
        tpu.enqueue_indirect_dma source(%arg12 : memref<128x128xf32, #tpu.memory_space<vmem>>) target(%dma_start3A_98 : memref<10128x128xf32, #tpu.memory_space<vmem_shared>>) offsets(%dma_start3A_95 : memref<128xi32, #tpu.memory_space<vmem>>) semaphore(%run_scoped3A : memref<!tpu.dma_semaphore, #tpu.memory_space<semaphore_mem>>) {add = true}
        %dma_wait3A_99 = arith.constant 0 : i32
        %dma_wait3A_100 = tpu.memref_slice %arg10[%add3A_72, %dma_wait3A_99] : memref<40x128xi32, #tpu.memory_space<vmem>> -> memref<1x128xi32, #tpu.memory_space<vmem>>
        %dma_wait3A_101 = tpu.memref_squeeze %dma_wait3A_100 : memref<1x128xi32, #tpu.memory_space<vmem>> -> memref<128xi32, #tpu.memory_space<vmem>>
        %dma_wait3A_102 = arith.constant 0 : i32
        %dma_wait3A_103 = arith.constant 0 : i32
        %dma_wait3A_104 = tpu.memref_slice %arg8[%dma_wait3A_102, %dma_wait3A_103] : memref<10128x128xf32, #tpu.memory_space<vmem_shared>> -> memref<10128x128xf32, #tpu.memory_space<vmem_shared>>
        tpu.wait_indirect_dma semaphore(%run_scoped3A : memref<!tpu.dma_semaphore, #tpu.memory_space<semaphore_mem>>) src(%arg12 : memref<128x128xf32, #tpu.memory_space<vmem>>) dst(%dma_wait3A_104 : memref<10128x128xf32, #tpu.memory_space<vmem_shared>>)
        tpu.yield
      }) : () -> ()
      %lt3A_88 = arith.constant 19 : i32
      %lt3A_89 = arith.cmpi slt, %scan3A_68, %lt3A_88 : i32
      %convert_element_type3A_90 = arith.extui %lt3A_89 : i1 to i32
      %cond3A_91 = arith.constant 0 : i32
      %cond3A_92 = arith.cmpi ne, %convert_element_type3A_90, %cond3A_91 : i32
      scf.if %cond3A_92 {
        %add3A_93 = arith.constant 2 : i32
        %add3A_94 = arith.addi %add3A_72, %add3A_93 : i32
        %dma_start3A_95 = arith.constant 0 : i32
        %dma_start3A_96 = tpu.memref_slice %arg9[%add3A_94, %dma_start3A_95] : memref<40x128xi32, #tpu.memory_space<vmem>> -> memref<1x128xi32, #tpu.memory_space<vmem>>
        %dma_start3A_97 = tpu.memref_squeeze %dma_start3A_96 : memref<1x128xi32, #tpu.memory_space<vmem>> -> memref<128xi32, #tpu.memory_space<vmem>>
        %dma_start3A_98 = arith.constant 0 : i32
        %dma_start3A_99 = arith.constant 0 : i32
        %dma_start3A_100 = tpu.memref_slice %arg2[%dma_start3A_98, %dma_start3A_99] : memref<10000x128xf32, #tpu.memory_space<hbm>> -> memref<10000x128xf32, #tpu.memory_space<hbm>>
        tpu.enqueue_indirect_dma source(%dma_start3A_100 : memref<10000x128xf32, #tpu.memory_space<hbm>>) target(%arg12 : memref<128x128xf32, #tpu.memory_space<vmem>>) offsets(%dma_start3A_97 : memref<128xi32, #tpu.memory_space<vmem>>) semaphore(%arg14 : memref<!tpu.dma_semaphore, #tpu.memory_space<semaphore_mem>>)
      } else {
      }
    }
    %scan3A_56 = arith.constant 20 : i32
    %barrier3A_57 = arith.constant 0 : index
    tpu.barrier barrier_id(%barrier3A_57)
    %eq3A_58 = arith.constant 0 : i32
    %eq3A_59 = arith.cmpi eq, %arg0, %eq3A_58 : i32
    %convert_element_type3A_60 = arith.extui %eq3A_59 : i1 to i32
    %cond3A_61 = arith.constant 0 : i32
    %cond3A_62 = arith.cmpi ne, %convert_element_type3A_60, %cond3A_61 : i32
    scf.if %cond3A_62 {
      %lt3A = arith.constant 15 : i32
      %lt3A_68 = arith.cmpi slt, %arg1, %lt3A : i32
      %convert_element_type3A_69 = arith.extui %lt3A_68 : i1 to i32
      %cond3A_70 = arith.constant 0 : i32
      %cond3A_71 = arith.cmpi ne, %convert_element_type3A_69, %cond3A_70 : i32
      scf.if %cond3A_71 {
        %mul3A_77 = arith.constant 632 : i32
        %mul3A_78 = arith.muli %arg1, %mul3A_77 : i32
        %mul3A_79 = arith.constant 632 : i32
        %mul3A_80 = arith.muli %arg1, %mul3A_79 : i32
        "tpu.region"() ({
          %run_scoped3A = tpu.sem_alloc : memref<!tpu.dma_semaphore, #tpu.memory_space<semaphore_mem>>
          %dma_start3A_81 = arith.constant 0 : i32
          %dma_start3A_82 = tpu.memref_slice %arg6[%mul3A_80, %dma_start3A_81] : memref<10000x128xf32, #tpu.memory_space<hbm>> -> memref<632x128xf32, #tpu.memory_space<hbm>>
          %dma_start3A_83 = arith.constant 0 : i32
          %dma_start3A_84 = tpu.memref_slice %arg8[%mul3A_78, %dma_start3A_83] : memref<10128x128xf32, #tpu.memory_space<vmem_shared>> -> memref<632x128xf32, #tpu.memory_space<vmem_shared>>
          tpu.enqueue_dma source(%dma_start3A_84 : memref<632x128xf32, #tpu.memory_space<vmem_shared>>) target(%dma_start3A_82 : memref<632x128xf32, #tpu.memory_space<hbm>>) target_semaphore(%run_scoped3A : memref<!tpu.dma_semaphore, #tpu.memory_space<semaphore_mem>>)
          %dma_wait3A = arith.constant 0 : i32
          %dma_wait3A_85 = tpu.memref_slice %arg6[%mul3A_80, %dma_wait3A] : memref<10000x128xf32, #tpu.memory_space<hbm>> -> memref<632x128xf32, #tpu.memory_space<hbm>>
          %dma_wait3A_86 = arith.constant 0 : i32
          %dma_wait3A_87 = tpu.memref_slice %arg8[%mul3A_78, %dma_wait3A_86] : memref<10128x128xf32, #tpu.memory_space<vmem_shared>> -> memref<632x128xf32, #tpu.memory_space<vmem_shared>>
          tpu.wait_dma2 semaphore(%run_scoped3A : memref<!tpu.dma_semaphore, #tpu.memory_space<semaphore_mem>>) src(%dma_wait3A_87 : memref<632x128xf32, #tpu.memory_space<vmem_shared>>) dst(%dma_wait3A_85 : memref<632x128xf32, #tpu.memory_space<hbm>>)
          tpu.yield
        }) : () -> ()
      } else {
      }
      %eq3A_72 = arith.constant 15 : i32
      %eq3A_73 = arith.cmpi eq, %arg1, %eq3A_72 : i32
      %convert_element_type3A_74 = arith.extui %eq3A_73 : i1 to i32
      %cond3A_75 = arith.constant 0 : i32
      %cond3A_76 = arith.cmpi ne, %convert_element_type3A_74, %cond3A_75 : i32
      scf.if %cond3A_76 {
        "tpu.region"() ({
          %run_scoped3A = tpu.sem_alloc : memref<!tpu.dma_semaphore, #tpu.memory_space<semaphore_mem>>
          %dma_start3A_77 = arith.constant 9480 : i32
          %dma_start3A_78 = arith.constant 0 : i32
          %dma_start3A_79 = tpu.memref_slice %arg6[%dma_start3A_77, %dma_start3A_78] : memref<10000x128xf32, #tpu.memory_space<hbm>> -> memref<520x128xf32, #tpu.memory_space<hbm>>
          %dma_start3A_80 = arith.constant 9480 : i32
          %dma_start3A_81 = arith.constant 0 : i32
          %dma_start3A_82 = tpu.memref_slice %arg8[%dma_start3A_80, %dma_start3A_81] : memref<10128x128xf32, #tpu.memory_space<vmem_shared>> -> memref<520x128xf32, #tpu.memory_space<vmem_shared>>
          tpu.enqueue_dma source(%dma_start3A_82 : memref<520x128xf32, #tpu.memory_space<vmem_shared>>) target(%dma_start3A_79 : memref<520x128xf32, #tpu.memory_space<hbm>>) target_semaphore(%run_scoped3A : memref<!tpu.dma_semaphore, #tpu.memory_space<semaphore_mem>>)
          %dma_wait3A = arith.constant 9480 : i32
          %dma_wait3A_83 = arith.constant 0 : i32
          %dma_wait3A_84 = tpu.memref_slice %arg6[%dma_wait3A, %dma_wait3A_83] : memref<10000x128xf32, #tpu.memory_space<hbm>> -> memref<520x128xf32, #tpu.memory_space<hbm>>
          %dma_wait3A_85 = arith.constant 9480 : i32
          %dma_wait3A_86 = arith.constant 0 : i32
          %dma_wait3A_87 = tpu.memref_slice %arg8[%dma_wait3A_85, %dma_wait3A_86] : memref<10128x128xf32, #tpu.memory_space<vmem_shared>> -> memref<520x128xf32, #tpu.memory_space<vmem_shared>>
          tpu.wait_dma2 semaphore(%run_scoped3A : memref<!tpu.dma_semaphore, #tpu.memory_space<semaphore_mem>>) src(%dma_wait3A_87 : memref<520x128xf32, #tpu.memory_space<vmem_shared>>) dst(%dma_wait3A_84 : memref<520x128xf32, #tpu.memory_space<hbm>>)
          tpu.yield
        }) : () -> ()
      } else {
      }
    } else {
    }
    %ne3A_63 = arith.constant 0 : i32
    %ne3A_64 = arith.cmpi ne, %arg0, %ne3A_63 : i32
    %convert_element_type3A_65 = arith.extui %ne3A_64 : i1 to i32
    %cond3A_66 = arith.constant 0 : i32
    %cond3A_67 = arith.cmpi ne, %convert_element_type3A_65, %cond3A_66 : i32
    scf.if %cond3A_67 {
      %lt3A = arith.constant 15 : i32
      %lt3A_68 = arith.cmpi slt, %arg1, %lt3A : i32
      %convert_element_type3A_69 = arith.extui %lt3A_68 : i1 to i32
      %cond3A_70 = arith.constant 0 : i32
      %cond3A_71 = arith.cmpi ne, %convert_element_type3A_69, %cond3A_70 : i32
      scf.if %cond3A_71 {
        %mul3A_77 = arith.constant 632 : i32
        %mul3A_78 = arith.muli %arg1, %mul3A_77 : i32
        %mul3A_79 = arith.constant 632 : i32
        %mul3A_80 = arith.muli %arg1, %mul3A_79 : i32
        "tpu.region"() ({
          %run_scoped3A = tpu.sem_alloc : memref<!tpu.dma_semaphore, #tpu.memory_space<semaphore_mem>>
          %dma_start3A_81 = arith.constant 0 : i32
          %dma_start3A_82 = tpu.memref_slice %arg7[%mul3A_80, %dma_start3A_81] : memref<10000x128xf32, #tpu.memory_space<hbm>> -> memref<632x128xf32, #tpu.memory_space<hbm>>
          %dma_start3A_83 = arith.constant 0 : i32
          %dma_start3A_84 = tpu.memref_slice %arg8[%mul3A_78, %dma_start3A_83] : memref<10128x128xf32, #tpu.memory_space<vmem_shared>> -> memref<632x128xf32, #tpu.memory_space<vmem_shared>>
          tpu.enqueue_dma source(%dma_start3A_84 : memref<632x128xf32, #tpu.memory_space<vmem_shared>>) target(%dma_start3A_82 : memref<632x128xf32, #tpu.memory_space<hbm>>) target_semaphore(%run_scoped3A : memref<!tpu.dma_semaphore, #tpu.memory_space<semaphore_mem>>)
          %dma_wait3A = arith.constant 0 : i32
          %dma_wait3A_85 = tpu.memref_slice %arg7[%mul3A_80, %dma_wait3A] : memref<10000x128xf32, #tpu.memory_space<hbm>> -> memref<632x128xf32, #tpu.memory_space<hbm>>
          %dma_wait3A_86 = arith.constant 0 : i32
          %dma_wait3A_87 = tpu.memref_slice %arg8[%mul3A_78, %dma_wait3A_86] : memref<10128x128xf32, #tpu.memory_space<vmem_shared>> -> memref<632x128xf32, #tpu.memory_space<vmem_shared>>
          tpu.wait_dma2 semaphore(%run_scoped3A : memref<!tpu.dma_semaphore, #tpu.memory_space<semaphore_mem>>) src(%dma_wait3A_87 : memref<632x128xf32, #tpu.memory_space<vmem_shared>>) dst(%dma_wait3A_85 : memref<632x128xf32, #tpu.memory_space<hbm>>)
          tpu.yield
        }) : () -> ()
      } else {
      }
      %eq3A_72 = arith.constant 15 : i32
      %eq3A_73 = arith.cmpi eq, %arg1, %eq3A_72 : i32
      %convert_element_type3A_74 = arith.extui %eq3A_73 : i1 to i32
      %cond3A_75 = arith.constant 0 : i32
      %cond3A_76 = arith.cmpi ne, %convert_element_type3A_74, %cond3A_75 : i32
      scf.if %cond3A_76 {
        "tpu.region"() ({
          %run_scoped3A = tpu.sem_alloc : memref<!tpu.dma_semaphore, #tpu.memory_space<semaphore_mem>>
          %dma_start3A_77 = arith.constant 9480 : i32
          %dma_start3A_78 = arith.constant 0 : i32
          %dma_start3A_79 = tpu.memref_slice %arg7[%dma_start3A_77, %dma_start3A_78] : memref<10000x128xf32, #tpu.memory_space<hbm>> -> memref<520x128xf32, #tpu.memory_space<hbm>>
          %dma_start3A_80 = arith.constant 9480 : i32
          %dma_start3A_81 = arith.constant 0 : i32
          %dma_start3A_82 = tpu.memref_slice %arg8[%dma_start3A_80, %dma_start3A_81] : memref<10128x128xf32, #tpu.memory_space<vmem_shared>> -> memref<520x128xf32, #tpu.memory_space<vmem_shared>>
          tpu.enqueue_dma source(%dma_start3A_82 : memref<520x128xf32, #tpu.memory_space<vmem_shared>>) target(%dma_start3A_79 : memref<520x128xf32, #tpu.memory_space<hbm>>) target_semaphore(%run_scoped3A : memref<!tpu.dma_semaphore, #tpu.memory_space<semaphore_mem>>)
          %dma_wait3A = arith.constant 9480 : i32
          %dma_wait3A_83 = arith.constant 0 : i32
          %dma_wait3A_84 = tpu.memref_slice %arg7[%dma_wait3A, %dma_wait3A_83] : memref<10000x128xf32, #tpu.memory_space<hbm>> -> memref<520x128xf32, #tpu.memory_space<hbm>>
          %dma_wait3A_85 = arith.constant 9480 : i32
          %dma_wait3A_86 = arith.constant 0 : i32
          %dma_wait3A_87 = tpu.memref_slice %arg8[%dma_wait3A_85, %dma_wait3A_86] : memref<10128x128xf32, #tpu.memory_space<vmem_shared>> -> memref<520x128xf32, #tpu.memory_space<vmem_shared>>
          tpu.wait_dma2 semaphore(%run_scoped3A : memref<!tpu.dma_semaphore, #tpu.memory_space<semaphore_mem>>) src(%dma_wait3A_87 : memref<520x128xf32, #tpu.memory_space<vmem_shared>>) dst(%dma_wait3A_84 : memref<520x128xf32, #tpu.memory_space<hbm>>)
          tpu.yield
        }) : () -> ()
      } else {
      }
    } else {
    }
    return
  }
}

#map = affine_map<(d0, d1) -> (0, 0)>
module attributes {stable_mosaic.version = 14 : i64} {
  func.func @_sc_agg_body(%arg0: i32, %arg1: i32, %arg2: memref<10000x128xf32, #tpu.memory_space<hbm>>, %arg3: memref<2560x128xi32, #tpu.memory_space<hbm>>, %arg4: memref<2560x128xi32, #tpu.memory_space<hbm>>, %arg5: memref<10000x128xf32, #tpu.memory_space<hbm>>, %arg6: memref<10000x128xf32, #tpu.memory_space<hbm>>, %arg7: memref<10000x128xf32, #tpu.memory_space<hbm>>, %arg8: memref<10128x128xf32, #tpu.memory_space<vmem_shared>>, %arg9: memref<40x128xi32, #tpu.memory_space<vmem>>, %arg10: memref<40x128xi32, #tpu.memory_space<vmem>>, %arg11: memref<128x128xf32, #tpu.memory_space<vmem>>, %arg12: memref<128x128xf32, #tpu.memory_space<vmem>>, %arg13: memref<!tpu.dma_semaphore, #tpu.memory_space<semaphore_mem>>, %arg14: memref<!tpu.dma_semaphore, #tpu.memory_space<semaphore_mem>>) attributes {dimension_semantics = [#tpu.dimension_semantics<core_parallel>, #tpu.dimension_semantics<subcore_parallel>], iteration_bounds = array<i64: 2, 16>, scalar_prefetch = 0 : i64, scratch_operands = 7 : i64, tpu.core_type = #tpu.core_type<sc_vector_subcore>, window_params = [{transform_indices = #map}, {transform_indices = #map}, {transform_indices = #map}, {transform_indices = #map}, {transform_indices = #map}, {transform_indices = #map}]} {
    %mul3A = arith.constant 2 : i32
    %mul3A_0 = arith.muli %arg1, %mul3A : i32
    %add3A = arith.addi %mul3A_0, %arg0 : i32
    %mul3A_1 = arith.constant 80 : i32
    %mul3A_2 = arith.muli %add3A, %mul3A_1 : i32
    "tpu.region"() ({
      %run_scoped3A = tpu.sem_alloc : memref<!tpu.dma_semaphore, #tpu.memory_space<semaphore_mem>>
      %dma_start3A_68 = arith.constant 0 : i32
      %dma_start3A_69 = tpu.memref_slice %arg3[%mul3A_2, %dma_start3A_68] : memref<2560x128xi32, #tpu.memory_space<hbm>> -> memref<40x128xi32, #tpu.memory_space<hbm>>
      %dma_start3A_70 = arith.constant 0 : i32
      %dma_start3A_71 = tpu.memref_slice %arg3[%mul3A_2, %dma_start3A_70] : memref<2560x128xi32, #tpu.memory_space<hbm>> -> memref<40x128xi32, #tpu.memory_space<hbm>>
      tpu.enqueue_dma source(%dma_start3A_71 : memref<40x128xi32, #tpu.memory_space<hbm>>) target(%arg9 : memref<40x128xi32, #tpu.memory_space<vmem>>) target_semaphore(%run_scoped3A : memref<!tpu.dma_semaphore, #tpu.memory_space<semaphore_mem>>)
      %dma_wait3A = arith.constant 0 : i32
      %dma_wait3A_72 = tpu.memref_slice %arg3[%mul3A_2, %dma_wait3A] : memref<2560x128xi32, #tpu.memory_space<hbm>> -> memref<40x128xi32, #tpu.memory_space<hbm>>
      %dma_wait3A_73 = arith.constant 0 : i32
      %dma_wait3A_74 = tpu.memref_slice %arg3[%mul3A_2, %dma_wait3A_73] : memref<2560x128xi32, #tpu.memory_space<hbm>> -> memref<40x128xi32, #tpu.memory_space<hbm>>
      tpu.wait_dma2 semaphore(%run_scoped3A : memref<!tpu.dma_semaphore, #tpu.memory_space<semaphore_mem>>) src(%dma_wait3A_74 : memref<40x128xi32, #tpu.memory_space<hbm>>) dst(%arg9 : memref<40x128xi32, #tpu.memory_space<vmem>>)
      tpu.yield
    }) : () -> ()
    %mul3A_3 = arith.constant 80 : i32
    %mul3A_4 = arith.muli %add3A, %mul3A_3 : i32
    "tpu.region"() ({
      %run_scoped3A = tpu.sem_alloc : memref<!tpu.dma_semaphore, #tpu.memory_space<semaphore_mem>>
      %dma_start3A_68 = arith.constant 0 : i32
      %dma_start3A_69 = tpu.memref_slice %arg4[%mul3A_4, %dma_start3A_68] : memref<2560x128xi32, #tpu.memory_space<hbm>> -> memref<40x128xi32, #tpu.memory_space<hbm>>
      %dma_start3A_70 = arith.constant 0 : i32
      %dma_start3A_71 = tpu.memref_slice %arg4[%mul3A_4, %dma_start3A_70] : memref<2560x128xi32, #tpu.memory_space<hbm>> -> memref<40x128xi32, #tpu.memory_space<hbm>>
      tpu.enqueue_dma source(%dma_start3A_71 : memref<40x128xi32, #tpu.memory_space<hbm>>) target(%arg10 : memref<40x128xi32, #tpu.memory_space<vmem>>) target_semaphore(%run_scoped3A : memref<!tpu.dma_semaphore, #tpu.memory_space<semaphore_mem>>)
      %dma_wait3A = arith.constant 0 : i32
      %dma_wait3A_72 = tpu.memref_slice %arg4[%mul3A_4, %dma_wait3A] : memref<2560x128xi32, #tpu.memory_space<hbm>> -> memref<40x128xi32, #tpu.memory_space<hbm>>
      %dma_wait3A_73 = arith.constant 0 : i32
      %dma_wait3A_74 = tpu.memref_slice %arg4[%mul3A_4, %dma_wait3A_73] : memref<2560x128xi32, #tpu.memory_space<hbm>> -> memref<40x128xi32, #tpu.memory_space<hbm>>
      tpu.wait_dma2 semaphore(%run_scoped3A : memref<!tpu.dma_semaphore, #tpu.memory_space<semaphore_mem>>) src(%dma_wait3A_74 : memref<40x128xi32, #tpu.memory_space<hbm>>) dst(%arg10 : memref<40x128xi32, #tpu.memory_space<vmem>>)
      tpu.yield
    }) : () -> ()
    %dma_start3A = arith.constant 0 : i32
    %dma_start3A_5 = arith.constant 0 : i32
    %dma_start3A_6 = tpu.memref_slice %arg9[%dma_start3A, %dma_start3A_5] : memref<40x128xi32, #tpu.memory_space<vmem>> -> memref<1x128xi32, #tpu.memory_space<vmem>>
    %dma_start3A_7 = tpu.memref_squeeze %dma_start3A_6 : memref<1x128xi32, #tpu.memory_space<vmem>> -> memref<128xi32, #tpu.memory_space<vmem>>
    %dma_start3A_8 = arith.constant 0 : i32
    %dma_start3A_9 = arith.constant 0 : i32
    %dma_start3A_10 = tpu.memref_slice %arg2[%dma_start3A_8, %dma_start3A_9] : memref<10000x128xf32, #tpu.memory_space<hbm>> -> memref<10000x128xf32, #tpu.memory_space<hbm>>
    tpu.enqueue_indirect_dma source(%dma_start3A_10 : memref<10000x128xf32, #tpu.memory_space<hbm>>) target(%arg11 : memref<128x128xf32, #tpu.memory_space<vmem>>) offsets(%dma_start3A_7 : memref<128xi32, #tpu.memory_space<vmem>>) semaphore(%arg13 : memref<!tpu.dma_semaphore, #tpu.memory_space<semaphore_mem>>)
    %dma_start3A_11 = arith.constant 1 : i32
    %dma_start3A_12 = arith.constant 0 : i32
    %dma_start3A_13 = tpu.memref_slice %arg9[%dma_start3A_11, %dma_start3A_12] : memref<40x128xi32, #tpu.memory_space<vmem>> -> memref<1x128xi32, #tpu.memory_space<vmem>>
    %dma_start3A_14 = tpu.memref_squeeze %dma_start3A_13 : memref<1x128xi32, #tpu.memory_space<vmem>> -> memref<128xi32, #tpu.memory_space<vmem>>
    %dma_start3A_15 = arith.constant 0 : i32
    %dma_start3A_16 = arith.constant 0 : i32
    %dma_start3A_17 = tpu.memref_slice %arg2[%dma_start3A_15, %dma_start3A_16] : memref<10000x128xf32, #tpu.memory_space<hbm>> -> memref<10000x128xf32, #tpu.memory_space<hbm>>
    tpu.enqueue_indirect_dma source(%dma_start3A_17 : memref<10000x128xf32, #tpu.memory_space<hbm>>) target(%arg12 : memref<128x128xf32, #tpu.memory_space<vmem>>) offsets(%dma_start3A_14 : memref<128xi32, #tpu.memory_space<vmem>>) semaphore(%arg14 : memref<!tpu.dma_semaphore, #tpu.memory_space<semaphore_mem>>)
    %eq3A = arith.constant 0 : i32
    %eq3A_18 = arith.cmpi eq, %arg0, %eq3A : i32
    %convert_element_type3A = arith.extui %eq3A_18 : i1 to i32
    %cond3A = arith.constant 0 : i32
    %cond3A_19 = arith.cmpi ne, %convert_element_type3A, %cond3A : i32
    scf.if %cond3A_19 {
      %lt3A = arith.constant 15 : i32
      %lt3A_68 = arith.cmpi slt, %arg1, %lt3A : i32
      %convert_element_type3A_69 = arith.extui %lt3A_68 : i1 to i32
      %cond3A_70 = arith.constant 0 : i32
      %cond3A_71 = arith.cmpi ne, %convert_element_type3A_69, %cond3A_70 : i32
      scf.if %cond3A_71 {
        %mul3A_77 = arith.constant 632 : i32
        %mul3A_78 = arith.muli %arg1, %mul3A_77 : i32
        %mul3A_79 = arith.constant 632 : i32
        %mul3A_80 = arith.muli %arg1, %mul3A_79 : i32
        "tpu.region"() ({
          %run_scoped3A = tpu.sem_alloc : memref<!tpu.dma_semaphore, #tpu.memory_space<semaphore_mem>>
          %dma_start3A_81 = arith.constant 0 : i32
          %dma_start3A_82 = tpu.memref_slice %arg8[%mul3A_80, %dma_start3A_81] : memref<10128x128xf32, #tpu.memory_space<vmem_shared>> -> memref<632x128xf32, #tpu.memory_space<vmem_shared>>
          %dma_start3A_83 = arith.constant 0 : i32
          %dma_start3A_84 = tpu.memref_slice %arg2[%mul3A_78, %dma_start3A_83] : memref<10000x128xf32, #tpu.memory_space<hbm>> -> memref<632x128xf32, #tpu.memory_space<hbm>>
          tpu.enqueue_dma source(%dma_start3A_84 : memref<632x128xf32, #tpu.memory_space<hbm>>) target(%dma_start3A_82 : memref<632x128xf32, #tpu.memory_space<vmem_shared>>) target_semaphore(%run_scoped3A : memref<!tpu.dma_semaphore, #tpu.memory_space<semaphore_mem>>)
          %dma_wait3A = arith.constant 0 : i32
          %dma_wait3A_85 = tpu.memref_slice %arg8[%mul3A_80, %dma_wait3A] : memref<10128x128xf32, #tpu.memory_space<vmem_shared>> -> memref<632x128xf32, #tpu.memory_space<vmem_shared>>
          %dma_wait3A_86 = arith.constant 0 : i32
          %dma_wait3A_87 = tpu.memref_slice %arg2[%mul3A_78, %dma_wait3A_86] : memref<10000x128xf32, #tpu.memory_space<hbm>> -> memref<632x128xf32, #tpu.memory_space<hbm>>
          tpu.wait_dma2 semaphore(%run_scoped3A : memref<!tpu.dma_semaphore, #tpu.memory_space<semaphore_mem>>) src(%dma_wait3A_87 : memref<632x128xf32, #tpu.memory_space<hbm>>) dst(%dma_wait3A_85 : memref<632x128xf32, #tpu.memory_space<vmem_shared>>)
          tpu.yield
        }) : () -> ()
      } else {
      }
      %eq3A_72 = arith.constant 15 : i32
      %eq3A_73 = arith.cmpi eq, %arg1, %eq3A_72 : i32
      %convert_element_type3A_74 = arith.extui %eq3A_73 : i1 to i32
      %cond3A_75 = arith.constant 0 : i32
      %cond3A_76 = arith.cmpi ne, %convert_element_type3A_74, %cond3A_75 : i32
      scf.if %cond3A_76 {
        "tpu.region"() ({
          %run_scoped3A = tpu.sem_alloc : memref<!tpu.dma_semaphore, #tpu.memory_space<semaphore_mem>>
          %dma_start3A_77 = arith.constant 9480 : i32
          %dma_start3A_78 = arith.constant 0 : i32
          %dma_start3A_79 = tpu.memref_slice %arg8[%dma_start3A_77, %dma_start3A_78] : memref<10128x128xf32, #tpu.memory_space<vmem_shared>> -> memref<520x128xf32, #tpu.memory_space<vmem_shared>>
          %dma_start3A_80 = arith.constant 9480 : i32
          %dma_start3A_81 = arith.constant 0 : i32
          %dma_start3A_82 = tpu.memref_slice %arg2[%dma_start3A_80, %dma_start3A_81] : memref<10000x128xf32, #tpu.memory_space<hbm>> -> memref<520x128xf32, #tpu.memory_space<hbm>>
          tpu.enqueue_dma source(%dma_start3A_82 : memref<520x128xf32, #tpu.memory_space<hbm>>) target(%dma_start3A_79 : memref<520x128xf32, #tpu.memory_space<vmem_shared>>) target_semaphore(%run_scoped3A : memref<!tpu.dma_semaphore, #tpu.memory_space<semaphore_mem>>)
          %dma_wait3A = arith.constant 9480 : i32
          %dma_wait3A_83 = arith.constant 0 : i32
          %dma_wait3A_84 = tpu.memref_slice %arg8[%dma_wait3A, %dma_wait3A_83] : memref<10128x128xf32, #tpu.memory_space<vmem_shared>> -> memref<520x128xf32, #tpu.memory_space<vmem_shared>>
          %dma_wait3A_85 = arith.constant 9480 : i32
          %dma_wait3A_86 = arith.constant 0 : i32
          %dma_wait3A_87 = tpu.memref_slice %arg2[%dma_wait3A_85, %dma_wait3A_86] : memref<10000x128xf32, #tpu.memory_space<hbm>> -> memref<520x128xf32, #tpu.memory_space<hbm>>
          tpu.wait_dma2 semaphore(%run_scoped3A : memref<!tpu.dma_semaphore, #tpu.memory_space<semaphore_mem>>) src(%dma_wait3A_87 : memref<520x128xf32, #tpu.memory_space<hbm>>) dst(%dma_wait3A_84 : memref<520x128xf32, #tpu.memory_space<vmem_shared>>)
          tpu.yield
        }) : () -> ()
      } else {
      }
    } else {
    }
    %ne3A = arith.constant 0 : i32
    %ne3A_20 = arith.cmpi ne, %arg0, %ne3A : i32
    %convert_element_type3A_21 = arith.extui %ne3A_20 : i1 to i32
    %cond3A_22 = arith.constant 0 : i32
    %cond3A_23 = arith.cmpi ne, %convert_element_type3A_21, %cond3A_22 : i32
    scf.if %cond3A_23 {
      %lt3A = arith.constant 15 : i32
      %lt3A_68 = arith.cmpi slt, %arg1, %lt3A : i32
      %convert_element_type3A_69 = arith.extui %lt3A_68 : i1 to i32
      %cond3A_70 = arith.constant 0 : i32
      %cond3A_71 = arith.cmpi ne, %convert_element_type3A_69, %cond3A_70 : i32
      scf.if %cond3A_71 {
        %mul3A_77 = arith.constant 632 : i32
        %mul3A_78 = arith.muli %arg1, %mul3A_77 : i32
        %mul3A_79 = arith.constant 632 : i32
        %mul3A_80 = arith.muli %arg1, %mul3A_79 : i32
        "tpu.region"() ({
          %run_scoped3A = tpu.sem_alloc : memref<!tpu.dma_semaphore, #tpu.memory_space<semaphore_mem>>
          %dma_start3A_81 = arith.constant 0 : i32
          %dma_start3A_82 = tpu.memref_slice %arg8[%mul3A_80, %dma_start3A_81] : memref<10128x128xf32, #tpu.memory_space<vmem_shared>> -> memref<632x128xf32, #tpu.memory_space<vmem_shared>>
          %dma_start3A_83 = arith.constant 0 : i32
          %dma_start3A_84 = tpu.memref_slice %arg5[%mul3A_78, %dma_start3A_83] : memref<10000x128xf32, #tpu.memory_space<hbm>> -> memref<632x128xf32, #tpu.memory_space<hbm>>
          tpu.enqueue_dma source(%dma_start3A_84 : memref<632x128xf32, #tpu.memory_space<hbm>>) target(%dma_start3A_82 : memref<632x128xf32, #tpu.memory_space<vmem_shared>>) target_semaphore(%run_scoped3A : memref<!tpu.dma_semaphore, #tpu.memory_space<semaphore_mem>>)
          %dma_wait3A = arith.constant 0 : i32
          %dma_wait3A_85 = tpu.memref_slice %arg8[%mul3A_80, %dma_wait3A] : memref<10128x128xf32, #tpu.memory_space<vmem_shared>> -> memref<632x128xf32, #tpu.memory_space<vmem_shared>>
          %dma_wait3A_86 = arith.constant 0 : i32
          %dma_wait3A_87 = tpu.memref_slice %arg5[%mul3A_78, %dma_wait3A_86] : memref<10000x128xf32, #tpu.memory_space<hbm>> -> memref<632x128xf32, #tpu.memory_space<hbm>>
          tpu.wait_dma2 semaphore(%run_scoped3A : memref<!tpu.dma_semaphore, #tpu.memory_space<semaphore_mem>>) src(%dma_wait3A_87 : memref<632x128xf32, #tpu.memory_space<hbm>>) dst(%dma_wait3A_85 : memref<632x128xf32, #tpu.memory_space<vmem_shared>>)
          tpu.yield
        }) : () -> ()
      } else {
      }
      %eq3A_72 = arith.constant 15 : i32
      %eq3A_73 = arith.cmpi eq, %arg1, %eq3A_72 : i32
      %convert_element_type3A_74 = arith.extui %eq3A_73 : i1 to i32
      %cond3A_75 = arith.constant 0 : i32
      %cond3A_76 = arith.cmpi ne, %convert_element_type3A_74, %cond3A_75 : i32
      scf.if %cond3A_76 {
        "tpu.region"() ({
          %run_scoped3A = tpu.sem_alloc : memref<!tpu.dma_semaphore, #tpu.memory_space<semaphore_mem>>
          %dma_start3A_77 = arith.constant 9480 : i32
          %dma_start3A_78 = arith.constant 0 : i32
          %dma_start3A_79 = tpu.memref_slice %arg8[%dma_start3A_77, %dma_start3A_78] : memref<10128x128xf32, #tpu.memory_space<vmem_shared>> -> memref<520x128xf32, #tpu.memory_space<vmem_shared>>
          %dma_start3A_80 = arith.constant 9480 : i32
          %dma_start3A_81 = arith.constant 0 : i32
          %dma_start3A_82 = tpu.memref_slice %arg5[%dma_start3A_80, %dma_start3A_81] : memref<10000x128xf32, #tpu.memory_space<hbm>> -> memref<520x128xf32, #tpu.memory_space<hbm>>
          tpu.enqueue_dma source(%dma_start3A_82 : memref<520x128xf32, #tpu.memory_space<hbm>>) target(%dma_start3A_79 : memref<520x128xf32, #tpu.memory_space<vmem_shared>>) target_semaphore(%run_scoped3A : memref<!tpu.dma_semaphore, #tpu.memory_space<semaphore_mem>>)
          %dma_wait3A = arith.constant 9480 : i32
          %dma_wait3A_83 = arith.constant 0 : i32
          %dma_wait3A_84 = tpu.memref_slice %arg8[%dma_wait3A, %dma_wait3A_83] : memref<10128x128xf32, #tpu.memory_space<vmem_shared>> -> memref<520x128xf32, #tpu.memory_space<vmem_shared>>
          %dma_wait3A_85 = arith.constant 9480 : i32
          %dma_wait3A_86 = arith.constant 0 : i32
          %dma_wait3A_87 = tpu.memref_slice %arg5[%dma_wait3A_85, %dma_wait3A_86] : memref<10000x128xf32, #tpu.memory_space<hbm>> -> memref<520x128xf32, #tpu.memory_space<hbm>>
          tpu.wait_dma2 semaphore(%run_scoped3A : memref<!tpu.dma_semaphore, #tpu.memory_space<semaphore_mem>>) src(%dma_wait3A_87 : memref<520x128xf32, #tpu.memory_space<hbm>>) dst(%dma_wait3A_84 : memref<520x128xf32, #tpu.memory_space<vmem_shared>>)
          tpu.yield
        }) : () -> ()
      } else {
      }
    } else {
    }
    %barrier3A = arith.constant 0 : index
    tpu.barrier barrier_id(%barrier3A)
    %scan3A = arith.constant 0 : i32
    %scan3A_24 = arith.constant 0 : i32
    %scan3A_25 = arith.constant 20 : i32
    %scan3A_26 = arith.addi %scan3A_24, %scan3A_25 : i32
    %scan3A_27 = arith.constant 1 : i32
    scf.for %scan3A_68 = %scan3A_24 to %scan3A_26 step %scan3A_27  : i32 {
      %mul3A_69 = arith.constant 2 : i32
      %mul3A_70 = arith.muli %mul3A_69, %scan3A_68 : i32
      %add3A_71 = arith.constant 1 : i32
      %add3A_72 = arith.addi %mul3A_70, %add3A_71 : i32
      %dma_wait3A = arith.constant 0 : i32
      %dma_wait3A_73 = tpu.memref_slice %arg9[%mul3A_70, %dma_wait3A] : memref<40x128xi32, #tpu.memory_space<vmem>> -> memref<1x128xi32, #tpu.memory_space<vmem>>
      %dma_wait3A_74 = tpu.memref_squeeze %dma_wait3A_73 : memref<1x128xi32, #tpu.memory_space<vmem>> -> memref<128xi32, #tpu.memory_space<vmem>>
      %dma_wait3A_75 = arith.constant 0 : i32
      %dma_wait3A_76 = arith.constant 0 : i32
      %dma_wait3A_77 = tpu.memref_slice %arg2[%dma_wait3A_75, %dma_wait3A_76] : memref<10000x128xf32, #tpu.memory_space<hbm>> -> memref<10000x128xf32, #tpu.memory_space<hbm>>
      tpu.wait_indirect_dma semaphore(%arg13 : memref<!tpu.dma_semaphore, #tpu.memory_space<semaphore_mem>>) src(%dma_wait3A_77 : memref<10000x128xf32, #tpu.memory_space<hbm>>) dst(%arg11 : memref<128x128xf32, #tpu.memory_space<vmem>>)
      "tpu.region"() ({
        %run_scoped3A = tpu.sem_alloc : memref<!tpu.dma_semaphore, #tpu.memory_space<semaphore_mem>>
        %dma_start3A_93 = arith.constant 0 : i32
        %dma_start3A_94 = tpu.memref_slice %arg10[%mul3A_70, %dma_start3A_93] : memref<40x128xi32, #tpu.memory_space<vmem>> -> memref<1x128xi32, #tpu.memory_space<vmem>>
        %dma_start3A_95 = tpu.memref_squeeze %dma_start3A_94 : memref<1x128xi32, #tpu.memory_space<vmem>> -> memref<128xi32, #tpu.memory_space<vmem>>
        %dma_start3A_96 = arith.constant 0 : i32
        %dma_start3A_97 = arith.constant 0 : i32
        %dma_start3A_98 = tpu.memref_slice %arg8[%dma_start3A_96, %dma_start3A_97] : memref<10128x128xf32, #tpu.memory_space<vmem_shared>> -> memref<10128x128xf32, #tpu.memory_space<vmem_shared>>
        tpu.enqueue_indirect_dma source(%arg11 : memref<128x128xf32, #tpu.memory_space<vmem>>) target(%dma_start3A_98 : memref<10128x128xf32, #tpu.memory_space<vmem_shared>>) offsets(%dma_start3A_95 : memref<128xi32, #tpu.memory_space<vmem>>) semaphore(%run_scoped3A : memref<!tpu.dma_semaphore, #tpu.memory_space<semaphore_mem>>) {add = true}
        %dma_wait3A_99 = arith.constant 0 : i32
        %dma_wait3A_100 = tpu.memref_slice %arg10[%mul3A_70, %dma_wait3A_99] : memref<40x128xi32, #tpu.memory_space<vmem>> -> memref<1x128xi32, #tpu.memory_space<vmem>>
        %dma_wait3A_101 = tpu.memref_squeeze %dma_wait3A_100 : memref<1x128xi32, #tpu.memory_space<vmem>> -> memref<128xi32, #tpu.memory_space<vmem>>
        %dma_wait3A_102 = arith.constant 0 : i32
        %dma_wait3A_103 = arith.constant 0 : i32
        %dma_wait3A_104 = tpu.memref_slice %arg8[%dma_wait3A_102, %dma_wait3A_103] : memref<10128x128xf32, #tpu.memory_space<vmem_shared>> -> memref<10128x128xf32, #tpu.memory_space<vmem_shared>>
        tpu.wait_indirect_dma semaphore(%run_scoped3A : memref<!tpu.dma_semaphore, #tpu.memory_space<semaphore_mem>>) src(%arg11 : memref<128x128xf32, #tpu.memory_space<vmem>>) dst(%dma_wait3A_104 : memref<10128x128xf32, #tpu.memory_space<vmem_shared>>)
        tpu.yield
      }) : () -> ()
      %lt3A = arith.constant 19 : i32
      %lt3A_78 = arith.cmpi slt, %scan3A_68, %lt3A : i32
      %convert_element_type3A_79 = arith.extui %lt3A_78 : i1 to i32
      %cond3A_80 = arith.constant 0 : i32
      %cond3A_81 = arith.cmpi ne, %convert_element_type3A_79, %cond3A_80 : i32
      scf.if %cond3A_81 {
        %add3A_93 = arith.constant 2 : i32
        %add3A_94 = arith.addi %mul3A_70, %add3A_93 : i32
        %dma_start3A_95 = arith.constant 0 : i32
        %dma_start3A_96 = tpu.memref_slice %arg9[%add3A_94, %dma_start3A_95] : memref<40x128xi32, #tpu.memory_space<vmem>> -> memref<1x128xi32, #tpu.memory_space<vmem>>
        %dma_start3A_97 = tpu.memref_squeeze %dma_start3A_96 : memref<1x128xi32, #tpu.memory_space<vmem>> -> memref<128xi32, #tpu.memory_space<vmem>>
        %dma_start3A_98 = arith.constant 0 : i32
        %dma_start3A_99 = arith.constant 0 : i32
        %dma_start3A_100 = tpu.memref_slice %arg2[%dma_start3A_98, %dma_start3A_99] : memref<10000x128xf32, #tpu.memory_space<hbm>> -> memref<10000x128xf32, #tpu.memory_space<hbm>>
        tpu.enqueue_indirect_dma source(%dma_start3A_100 : memref<10000x128xf32, #tpu.memory_space<hbm>>) target(%arg11 : memref<128x128xf32, #tpu.memory_space<vmem>>) offsets(%dma_start3A_97 : memref<128xi32, #tpu.memory_space<vmem>>) semaphore(%arg13 : memref<!tpu.dma_semaphore, #tpu.memory_space<semaphore_mem>>)
      } else {
      }
      %dma_wait3A_82 = arith.constant 0 : i32
      %dma_wait3A_83 = tpu.memref_slice %arg9[%add3A_72, %dma_wait3A_82] : memref<40x128xi32, #tpu.memory_space<vmem>> -> memref<1x128xi32, #tpu.memory_space<vmem>>
      %dma_wait3A_84 = tpu.memref_squeeze %dma_wait3A_83 : memref<1x128xi32, #tpu.memory_space<vmem>> -> memref<128xi32, #tpu.memory_space<vmem>>
      %dma_wait3A_85 = arith.constant 0 : i32
      %dma_wait3A_86 = arith.constant 0 : i32
      %dma_wait3A_87 = tpu.memref_slice %arg2[%dma_wait3A_85, %dma_wait3A_86] : memref<10000x128xf32, #tpu.memory_space<hbm>> -> memref<10000x128xf32, #tpu.memory_space<hbm>>
      tpu.wait_indirect_dma semaphore(%arg14 : memref<!tpu.dma_semaphore, #tpu.memory_space<semaphore_mem>>) src(%dma_wait3A_87 : memref<10000x128xf32, #tpu.memory_space<hbm>>) dst(%arg12 : memref<128x128xf32, #tpu.memory_space<vmem>>)
      "tpu.region"() ({
        %run_scoped3A = tpu.sem_alloc : memref<!tpu.dma_semaphore, #tpu.memory_space<semaphore_mem>>
        %dma_start3A_93 = arith.constant 0 : i32
        %dma_start3A_94 = tpu.memref_slice %arg10[%add3A_72, %dma_start3A_93] : memref<40x128xi32, #tpu.memory_space<vmem>> -> memref<1x128xi32, #tpu.memory_space<vmem>>
        %dma_start3A_95 = tpu.memref_squeeze %dma_start3A_94 : memref<1x128xi32, #tpu.memory_space<vmem>> -> memref<128xi32, #tpu.memory_space<vmem>>
        %dma_start3A_96 = arith.constant 0 : i32
        %dma_start3A_97 = arith.constant 0 : i32
        %dma_start3A_98 = tpu.memref_slice %arg8[%dma_start3A_96, %dma_start3A_97] : memref<10128x128xf32, #tpu.memory_space<vmem_shared>> -> memref<10128x128xf32, #tpu.memory_space<vmem_shared>>
        tpu.enqueue_indirect_dma source(%arg12 : memref<128x128xf32, #tpu.memory_space<vmem>>) target(%dma_start3A_98 : memref<10128x128xf32, #tpu.memory_space<vmem_shared>>) offsets(%dma_start3A_95 : memref<128xi32, #tpu.memory_space<vmem>>) semaphore(%run_scoped3A : memref<!tpu.dma_semaphore, #tpu.memory_space<semaphore_mem>>) {add = true}
        %dma_wait3A_99 = arith.constant 0 : i32
        %dma_wait3A_100 = tpu.memref_slice %arg10[%add3A_72, %dma_wait3A_99] : memref<40x128xi32, #tpu.memory_space<vmem>> -> memref<1x128xi32, #tpu.memory_space<vmem>>
        %dma_wait3A_101 = tpu.memref_squeeze %dma_wait3A_100 : memref<1x128xi32, #tpu.memory_space<vmem>> -> memref<128xi32, #tpu.memory_space<vmem>>
        %dma_wait3A_102 = arith.constant 0 : i32
        %dma_wait3A_103 = arith.constant 0 : i32
        %dma_wait3A_104 = tpu.memref_slice %arg8[%dma_wait3A_102, %dma_wait3A_103] : memref<10128x128xf32, #tpu.memory_space<vmem_shared>> -> memref<10128x128xf32, #tpu.memory_space<vmem_shared>>
        tpu.wait_indirect_dma semaphore(%run_scoped3A : memref<!tpu.dma_semaphore, #tpu.memory_space<semaphore_mem>>) src(%arg12 : memref<128x128xf32, #tpu.memory_space<vmem>>) dst(%dma_wait3A_104 : memref<10128x128xf32, #tpu.memory_space<vmem_shared>>)
        tpu.yield
      }) : () -> ()
      %lt3A_88 = arith.constant 19 : i32
      %lt3A_89 = arith.cmpi slt, %scan3A_68, %lt3A_88 : i32
      %convert_element_type3A_90 = arith.extui %lt3A_89 : i1 to i32
      %cond3A_91 = arith.constant 0 : i32
      %cond3A_92 = arith.cmpi ne, %convert_element_type3A_90, %cond3A_91 : i32
      scf.if %cond3A_92 {
        %add3A_93 = arith.constant 2 : i32
        %add3A_94 = arith.addi %add3A_72, %add3A_93 : i32
        %dma_start3A_95 = arith.constant 0 : i32
        %dma_start3A_96 = tpu.memref_slice %arg9[%add3A_94, %dma_start3A_95] : memref<40x128xi32, #tpu.memory_space<vmem>> -> memref<1x128xi32, #tpu.memory_space<vmem>>
        %dma_start3A_97 = tpu.memref_squeeze %dma_start3A_96 : memref<1x128xi32, #tpu.memory_space<vmem>> -> memref<128xi32, #tpu.memory_space<vmem>>
        %dma_start3A_98 = arith.constant 0 : i32
        %dma_start3A_99 = arith.constant 0 : i32
        %dma_start3A_100 = tpu.memref_slice %arg2[%dma_start3A_98, %dma_start3A_99] : memref<10000x128xf32, #tpu.memory_space<hbm>> -> memref<10000x128xf32, #tpu.memory_space<hbm>>
        tpu.enqueue_indirect_dma source(%dma_start3A_100 : memref<10000x128xf32, #tpu.memory_space<hbm>>) target(%arg12 : memref<128x128xf32, #tpu.memory_space<vmem>>) offsets(%dma_start3A_97 : memref<128xi32, #tpu.memory_space<vmem>>) semaphore(%arg14 : memref<!tpu.dma_semaphore, #tpu.memory_space<semaphore_mem>>)
      } else {
      }
    }
    %scan3A_28 = arith.constant 20 : i32
    %mul3A_29 = arith.constant 80 : i32
    %mul3A_30 = arith.muli %add3A, %mul3A_29 : i32
    %add3A_31 = arith.constant 40 : i32
    %add3A_32 = arith.addi %mul3A_30, %add3A_31 : i32
    "tpu.region"() ({
      %run_scoped3A = tpu.sem_alloc : memref<!tpu.dma_semaphore, #tpu.memory_space<semaphore_mem>>
      %dma_start3A_68 = arith.constant 0 : i32
      %dma_start3A_69 = tpu.memref_slice %arg3[%add3A_32, %dma_start3A_68] : memref<2560x128xi32, #tpu.memory_space<hbm>> -> memref<40x128xi32, #tpu.memory_space<hbm>>
      %dma_start3A_70 = arith.constant 0 : i32
      %dma_start3A_71 = tpu.memref_slice %arg3[%add3A_32, %dma_start3A_70] : memref<2560x128xi32, #tpu.memory_space<hbm>> -> memref<40x128xi32, #tpu.memory_space<hbm>>
      tpu.enqueue_dma source(%dma_start3A_71 : memref<40x128xi32, #tpu.memory_space<hbm>>) target(%arg9 : memref<40x128xi32, #tpu.memory_space<vmem>>) target_semaphore(%run_scoped3A : memref<!tpu.dma_semaphore, #tpu.memory_space<semaphore_mem>>)
      %dma_wait3A = arith.constant 0 : i32
      %dma_wait3A_72 = tpu.memref_slice %arg3[%add3A_32, %dma_wait3A] : memref<2560x128xi32, #tpu.memory_space<hbm>> -> memref<40x128xi32, #tpu.memory_space<hbm>>
      %dma_wait3A_73 = arith.constant 0 : i32
      %dma_wait3A_74 = tpu.memref_slice %arg3[%add3A_32, %dma_wait3A_73] : memref<2560x128xi32, #tpu.memory_space<hbm>> -> memref<40x128xi32, #tpu.memory_space<hbm>>
      tpu.wait_dma2 semaphore(%run_scoped3A : memref<!tpu.dma_semaphore, #tpu.memory_space<semaphore_mem>>) src(%dma_wait3A_74 : memref<40x128xi32, #tpu.memory_space<hbm>>) dst(%arg9 : memref<40x128xi32, #tpu.memory_space<vmem>>)
      tpu.yield
    }) : () -> ()
    %mul3A_33 = arith.constant 80 : i32
    %mul3A_34 = arith.muli %add3A, %mul3A_33 : i32
    %add3A_35 = arith.constant 40 : i32
    %add3A_36 = arith.addi %mul3A_34, %add3A_35 : i32
    "tpu.region"() ({
      %run_scoped3A = tpu.sem_alloc : memref<!tpu.dma_semaphore, #tpu.memory_space<semaphore_mem>>
      %dma_start3A_68 = arith.constant 0 : i32
      %dma_start3A_69 = tpu.memref_slice %arg4[%add3A_36, %dma_start3A_68] : memref<2560x128xi32, #tpu.memory_space<hbm>> -> memref<40x128xi32, #tpu.memory_space<hbm>>
      %dma_start3A_70 = arith.constant 0 : i32
      %dma_start3A_71 = tpu.memref_slice %arg4[%add3A_36, %dma_start3A_70] : memref<2560x128xi32, #tpu.memory_space<hbm>> -> memref<40x128xi32, #tpu.memory_space<hbm>>
      tpu.enqueue_dma source(%dma_start3A_71 : memref<40x128xi32, #tpu.memory_space<hbm>>) target(%arg10 : memref<40x128xi32, #tpu.memory_space<vmem>>) target_semaphore(%run_scoped3A : memref<!tpu.dma_semaphore, #tpu.memory_space<semaphore_mem>>)
      %dma_wait3A = arith.constant 0 : i32
      %dma_wait3A_72 = tpu.memref_slice %arg4[%add3A_36, %dma_wait3A] : memref<2560x128xi32, #tpu.memory_space<hbm>> -> memref<40x128xi32, #tpu.memory_space<hbm>>
      %dma_wait3A_73 = arith.constant 0 : i32
      %dma_wait3A_74 = tpu.memref_slice %arg4[%add3A_36, %dma_wait3A_73] : memref<2560x128xi32, #tpu.memory_space<hbm>> -> memref<40x128xi32, #tpu.memory_space<hbm>>
      tpu.wait_dma2 semaphore(%run_scoped3A : memref<!tpu.dma_semaphore, #tpu.memory_space<semaphore_mem>>) src(%dma_wait3A_74 : memref<40x128xi32, #tpu.memory_space<hbm>>) dst(%arg10 : memref<40x128xi32, #tpu.memory_space<vmem>>)
      tpu.yield
    }) : () -> ()
    %dma_start3A_37 = arith.constant 0 : i32
    %dma_start3A_38 = arith.constant 0 : i32
    %dma_start3A_39 = tpu.memref_slice %arg9[%dma_start3A_37, %dma_start3A_38] : memref<40x128xi32, #tpu.memory_space<vmem>> -> memref<1x128xi32, #tpu.memory_space<vmem>>
    %dma_start3A_40 = tpu.memref_squeeze %dma_start3A_39 : memref<1x128xi32, #tpu.memory_space<vmem>> -> memref<128xi32, #tpu.memory_space<vmem>>
    %dma_start3A_41 = arith.constant 0 : i32
    %dma_start3A_42 = arith.constant 0 : i32
    %dma_start3A_43 = tpu.memref_slice %arg2[%dma_start3A_41, %dma_start3A_42] : memref<10000x128xf32, #tpu.memory_space<hbm>> -> memref<10000x128xf32, #tpu.memory_space<hbm>>
    tpu.enqueue_indirect_dma source(%dma_start3A_43 : memref<10000x128xf32, #tpu.memory_space<hbm>>) target(%arg11 : memref<128x128xf32, #tpu.memory_space<vmem>>) offsets(%dma_start3A_40 : memref<128xi32, #tpu.memory_space<vmem>>) semaphore(%arg13 : memref<!tpu.dma_semaphore, #tpu.memory_space<semaphore_mem>>)
    %dma_start3A_44 = arith.constant 1 : i32
    %dma_start3A_45 = arith.constant 0 : i32
    %dma_start3A_46 = tpu.memref_slice %arg9[%dma_start3A_44, %dma_start3A_45] : memref<40x128xi32, #tpu.memory_space<vmem>> -> memref<1x128xi32, #tpu.memory_space<vmem>>
    %dma_start3A_47 = tpu.memref_squeeze %dma_start3A_46 : memref<1x128xi32, #tpu.memory_space<vmem>> -> memref<128xi32, #tpu.memory_space<vmem>>
    %dma_start3A_48 = arith.constant 0 : i32
    %dma_start3A_49 = arith.constant 0 : i32
    %dma_start3A_50 = tpu.memref_slice %arg2[%dma_start3A_48, %dma_start3A_49] : memref<10000x128xf32, #tpu.memory_space<hbm>> -> memref<10000x128xf32, #tpu.memory_space<hbm>>
    tpu.enqueue_indirect_dma source(%dma_start3A_50 : memref<10000x128xf32, #tpu.memory_space<hbm>>) target(%arg12 : memref<128x128xf32, #tpu.memory_space<vmem>>) offsets(%dma_start3A_47 : memref<128xi32, #tpu.memory_space<vmem>>) semaphore(%arg14 : memref<!tpu.dma_semaphore, #tpu.memory_space<semaphore_mem>>)
    %scan3A_51 = arith.constant 0 : i32
    %scan3A_52 = arith.constant 0 : i32
    %scan3A_53 = arith.constant 20 : i32
    %scan3A_54 = arith.addi %scan3A_52, %scan3A_53 : i32
    %scan3A_55 = arith.constant 1 : i32
    scf.for %scan3A_68 = %scan3A_52 to %scan3A_54 step %scan3A_55  : i32 {
      %mul3A_69 = arith.constant 2 : i32
      %mul3A_70 = arith.muli %mul3A_69, %scan3A_68 : i32
      %add3A_71 = arith.constant 1 : i32
      %add3A_72 = arith.addi %mul3A_70, %add3A_71 : i32
      %dma_wait3A = arith.constant 0 : i32
      %dma_wait3A_73 = tpu.memref_slice %arg9[%mul3A_70, %dma_wait3A] : memref<40x128xi32, #tpu.memory_space<vmem>> -> memref<1x128xi32, #tpu.memory_space<vmem>>
      %dma_wait3A_74 = tpu.memref_squeeze %dma_wait3A_73 : memref<1x128xi32, #tpu.memory_space<vmem>> -> memref<128xi32, #tpu.memory_space<vmem>>
      %dma_wait3A_75 = arith.constant 0 : i32
      %dma_wait3A_76 = arith.constant 0 : i32
      %dma_wait3A_77 = tpu.memref_slice %arg2[%dma_wait3A_75, %dma_wait3A_76] : memref<10000x128xf32, #tpu.memory_space<hbm>> -> memref<10000x128xf32, #tpu.memory_space<hbm>>
      tpu.wait_indirect_dma semaphore(%arg13 : memref<!tpu.dma_semaphore, #tpu.memory_space<semaphore_mem>>) src(%dma_wait3A_77 : memref<10000x128xf32, #tpu.memory_space<hbm>>) dst(%arg11 : memref<128x128xf32, #tpu.memory_space<vmem>>)
      "tpu.region"() ({
        %run_scoped3A = tpu.sem_alloc : memref<!tpu.dma_semaphore, #tpu.memory_space<semaphore_mem>>
        %dma_start3A_93 = arith.constant 0 : i32
        %dma_start3A_94 = tpu.memref_slice %arg10[%mul3A_70, %dma_start3A_93] : memref<40x128xi32, #tpu.memory_space<vmem>> -> memref<1x128xi32, #tpu.memory_space<vmem>>
        %dma_start3A_95 = tpu.memref_squeeze %dma_start3A_94 : memref<1x128xi32, #tpu.memory_space<vmem>> -> memref<128xi32, #tpu.memory_space<vmem>>
        %dma_start3A_96 = arith.constant 0 : i32
        %dma_start3A_97 = arith.constant 0 : i32
        %dma_start3A_98 = tpu.memref_slice %arg8[%dma_start3A_96, %dma_start3A_97] : memref<10128x128xf32, #tpu.memory_space<vmem_shared>> -> memref<10128x128xf32, #tpu.memory_space<vmem_shared>>
        tpu.enqueue_indirect_dma source(%arg11 : memref<128x128xf32, #tpu.memory_space<vmem>>) target(%dma_start3A_98 : memref<10128x128xf32, #tpu.memory_space<vmem_shared>>) offsets(%dma_start3A_95 : memref<128xi32, #tpu.memory_space<vmem>>) semaphore(%run_scoped3A : memref<!tpu.dma_semaphore, #tpu.memory_space<semaphore_mem>>) {add = true}
        %dma_wait3A_99 = arith.constant 0 : i32
        %dma_wait3A_100 = tpu.memref_slice %arg10[%mul3A_70, %dma_wait3A_99] : memref<40x128xi32, #tpu.memory_space<vmem>> -> memref<1x128xi32, #tpu.memory_space<vmem>>
        %dma_wait3A_101 = tpu.memref_squeeze %dma_wait3A_100 : memref<1x128xi32, #tpu.memory_space<vmem>> -> memref<128xi32, #tpu.memory_space<vmem>>
        %dma_wait3A_102 = arith.constant 0 : i32
        %dma_wait3A_103 = arith.constant 0 : i32
        %dma_wait3A_104 = tpu.memref_slice %arg8[%dma_wait3A_102, %dma_wait3A_103] : memref<10128x128xf32, #tpu.memory_space<vmem_shared>> -> memref<10128x128xf32, #tpu.memory_space<vmem_shared>>
        tpu.wait_indirect_dma semaphore(%run_scoped3A : memref<!tpu.dma_semaphore, #tpu.memory_space<semaphore_mem>>) src(%arg11 : memref<128x128xf32, #tpu.memory_space<vmem>>) dst(%dma_wait3A_104 : memref<10128x128xf32, #tpu.memory_space<vmem_shared>>)
        tpu.yield
      }) : () -> ()
      %lt3A = arith.constant 19 : i32
      %lt3A_78 = arith.cmpi slt, %scan3A_68, %lt3A : i32
      %convert_element_type3A_79 = arith.extui %lt3A_78 : i1 to i32
      %cond3A_80 = arith.constant 0 : i32
      %cond3A_81 = arith.cmpi ne, %convert_element_type3A_79, %cond3A_80 : i32
      scf.if %cond3A_81 {
        %add3A_93 = arith.constant 2 : i32
        %add3A_94 = arith.addi %mul3A_70, %add3A_93 : i32
        %dma_start3A_95 = arith.constant 0 : i32
        %dma_start3A_96 = tpu.memref_slice %arg9[%add3A_94, %dma_start3A_95] : memref<40x128xi32, #tpu.memory_space<vmem>> -> memref<1x128xi32, #tpu.memory_space<vmem>>
        %dma_start3A_97 = tpu.memref_squeeze %dma_start3A_96 : memref<1x128xi32, #tpu.memory_space<vmem>> -> memref<128xi32, #tpu.memory_space<vmem>>
        %dma_start3A_98 = arith.constant 0 : i32
        %dma_start3A_99 = arith.constant 0 : i32
        %dma_start3A_100 = tpu.memref_slice %arg2[%dma_start3A_98, %dma_start3A_99] : memref<10000x128xf32, #tpu.memory_space<hbm>> -> memref<10000x128xf32, #tpu.memory_space<hbm>>
        tpu.enqueue_indirect_dma source(%dma_start3A_100 : memref<10000x128xf32, #tpu.memory_space<hbm>>) target(%arg11 : memref<128x128xf32, #tpu.memory_space<vmem>>) offsets(%dma_start3A_97 : memref<128xi32, #tpu.memory_space<vmem>>) semaphore(%arg13 : memref<!tpu.dma_semaphore, #tpu.memory_space<semaphore_mem>>)
      } else {
      }
      %dma_wait3A_82 = arith.constant 0 : i32
      %dma_wait3A_83 = tpu.memref_slice %arg9[%add3A_72, %dma_wait3A_82] : memref<40x128xi32, #tpu.memory_space<vmem>> -> memref<1x128xi32, #tpu.memory_space<vmem>>
      %dma_wait3A_84 = tpu.memref_squeeze %dma_wait3A_83 : memref<1x128xi32, #tpu.memory_space<vmem>> -> memref<128xi32, #tpu.memory_space<vmem>>
      %dma_wait3A_85 = arith.constant 0 : i32
      %dma_wait3A_86 = arith.constant 0 : i32
      %dma_wait3A_87 = tpu.memref_slice %arg2[%dma_wait3A_85, %dma_wait3A_86] : memref<10000x128xf32, #tpu.memory_space<hbm>> -> memref<10000x128xf32, #tpu.memory_space<hbm>>
      tpu.wait_indirect_dma semaphore(%arg14 : memref<!tpu.dma_semaphore, #tpu.memory_space<semaphore_mem>>) src(%dma_wait3A_87 : memref<10000x128xf32, #tpu.memory_space<hbm>>) dst(%arg12 : memref<128x128xf32, #tpu.memory_space<vmem>>)
      "tpu.region"() ({
        %run_scoped3A = tpu.sem_alloc : memref<!tpu.dma_semaphore, #tpu.memory_space<semaphore_mem>>
        %dma_start3A_93 = arith.constant 0 : i32
        %dma_start3A_94 = tpu.memref_slice %arg10[%add3A_72, %dma_start3A_93] : memref<40x128xi32, #tpu.memory_space<vmem>> -> memref<1x128xi32, #tpu.memory_space<vmem>>
        %dma_start3A_95 = tpu.memref_squeeze %dma_start3A_94 : memref<1x128xi32, #tpu.memory_space<vmem>> -> memref<128xi32, #tpu.memory_space<vmem>>
        %dma_start3A_96 = arith.constant 0 : i32
        %dma_start3A_97 = arith.constant 0 : i32
        %dma_start3A_98 = tpu.memref_slice %arg8[%dma_start3A_96, %dma_start3A_97] : memref<10128x128xf32, #tpu.memory_space<vmem_shared>> -> memref<10128x128xf32, #tpu.memory_space<vmem_shared>>
        tpu.enqueue_indirect_dma source(%arg12 : memref<128x128xf32, #tpu.memory_space<vmem>>) target(%dma_start3A_98 : memref<10128x128xf32, #tpu.memory_space<vmem_shared>>) offsets(%dma_start3A_95 : memref<128xi32, #tpu.memory_space<vmem>>) semaphore(%run_scoped3A : memref<!tpu.dma_semaphore, #tpu.memory_space<semaphore_mem>>) {add = true}
        %dma_wait3A_99 = arith.constant 0 : i32
        %dma_wait3A_100 = tpu.memref_slice %arg10[%add3A_72, %dma_wait3A_99] : memref<40x128xi32, #tpu.memory_space<vmem>> -> memref<1x128xi32, #tpu.memory_space<vmem>>
        %dma_wait3A_101 = tpu.memref_squeeze %dma_wait3A_100 : memref<1x128xi32, #tpu.memory_space<vmem>> -> memref<128xi32, #tpu.memory_space<vmem>>
        %dma_wait3A_102 = arith.constant 0 : i32
        %dma_wait3A_103 = arith.constant 0 : i32
        %dma_wait3A_104 = tpu.memref_slice %arg8[%dma_wait3A_102, %dma_wait3A_103] : memref<10128x128xf32, #tpu.memory_space<vmem_shared>> -> memref<10128x128xf32, #tpu.memory_space<vmem_shared>>
        tpu.wait_indirect_dma semaphore(%run_scoped3A : memref<!tpu.dma_semaphore, #tpu.memory_space<semaphore_mem>>) src(%arg12 : memref<128x128xf32, #tpu.memory_space<vmem>>) dst(%dma_wait3A_104 : memref<10128x128xf32, #tpu.memory_space<vmem_shared>>)
        tpu.yield
      }) : () -> ()
      %lt3A_88 = arith.constant 19 : i32
      %lt3A_89 = arith.cmpi slt, %scan3A_68, %lt3A_88 : i32
      %convert_element_type3A_90 = arith.extui %lt3A_89 : i1 to i32
      %cond3A_91 = arith.constant 0 : i32
      %cond3A_92 = arith.cmpi ne, %convert_element_type3A_90, %cond3A_91 : i32
      scf.if %cond3A_92 {
        %add3A_93 = arith.constant 2 : i32
        %add3A_94 = arith.addi %add3A_72, %add3A_93 : i32
        %dma_start3A_95 = arith.constant 0 : i32
        %dma_start3A_96 = tpu.memref_slice %arg9[%add3A_94, %dma_start3A_95] : memref<40x128xi32, #tpu.memory_space<vmem>> -> memref<1x128xi32, #tpu.memory_space<vmem>>
        %dma_start3A_97 = tpu.memref_squeeze %dma_start3A_96 : memref<1x128xi32, #tpu.memory_space<vmem>> -> memref<128xi32, #tpu.memory_space<vmem>>
        %dma_start3A_98 = arith.constant 0 : i32
        %dma_start3A_99 = arith.constant 0 : i32
        %dma_start3A_100 = tpu.memref_slice %arg2[%dma_start3A_98, %dma_start3A_99] : memref<10000x128xf32, #tpu.memory_space<hbm>> -> memref<10000x128xf32, #tpu.memory_space<hbm>>
        tpu.enqueue_indirect_dma source(%dma_start3A_100 : memref<10000x128xf32, #tpu.memory_space<hbm>>) target(%arg12 : memref<128x128xf32, #tpu.memory_space<vmem>>) offsets(%dma_start3A_97 : memref<128xi32, #tpu.memory_space<vmem>>) semaphore(%arg14 : memref<!tpu.dma_semaphore, #tpu.memory_space<semaphore_mem>>)
      } else {
      }
    }
    %scan3A_56 = arith.constant 20 : i32
    %barrier3A_57 = arith.constant 0 : index
    tpu.barrier barrier_id(%barrier3A_57)
    %eq3A_58 = arith.constant 0 : i32
    %eq3A_59 = arith.cmpi eq, %arg0, %eq3A_58 : i32
    %convert_element_type3A_60 = arith.extui %eq3A_59 : i1 to i32
    %cond3A_61 = arith.constant 0 : i32
    %cond3A_62 = arith.cmpi ne, %convert_element_type3A_60, %cond3A_61 : i32
    scf.if %cond3A_62 {
      %lt3A = arith.constant 15 : i32
      %lt3A_68 = arith.cmpi slt, %arg1, %lt3A : i32
      %convert_element_type3A_69 = arith.extui %lt3A_68 : i1 to i32
      %cond3A_70 = arith.constant 0 : i32
      %cond3A_71 = arith.cmpi ne, %convert_element_type3A_69, %cond3A_70 : i32
      scf.if %cond3A_71 {
        %mul3A_77 = arith.constant 632 : i32
        %mul3A_78 = arith.muli %arg1, %mul3A_77 : i32
        %mul3A_79 = arith.constant 632 : i32
        %mul3A_80 = arith.muli %arg1, %mul3A_79 : i32
        "tpu.region"() ({
          %run_scoped3A = tpu.sem_alloc : memref<!tpu.dma_semaphore, #tpu.memory_space<semaphore_mem>>
          %dma_start3A_81 = arith.constant 0 : i32
          %dma_start3A_82 = tpu.memref_slice %arg6[%mul3A_80, %dma_start3A_81] : memref<10000x128xf32, #tpu.memory_space<hbm>> -> memref<632x128xf32, #tpu.memory_space<hbm>>
          %dma_start3A_83 = arith.constant 0 : i32
          %dma_start3A_84 = tpu.memref_slice %arg8[%mul3A_78, %dma_start3A_83] : memref<10128x128xf32, #tpu.memory_space<vmem_shared>> -> memref<632x128xf32, #tpu.memory_space<vmem_shared>>
          tpu.enqueue_dma source(%dma_start3A_84 : memref<632x128xf32, #tpu.memory_space<vmem_shared>>) target(%dma_start3A_82 : memref<632x128xf32, #tpu.memory_space<hbm>>) target_semaphore(%run_scoped3A : memref<!tpu.dma_semaphore, #tpu.memory_space<semaphore_mem>>)
          %dma_wait3A = arith.constant 0 : i32
          %dma_wait3A_85 = tpu.memref_slice %arg6[%mul3A_80, %dma_wait3A] : memref<10000x128xf32, #tpu.memory_space<hbm>> -> memref<632x128xf32, #tpu.memory_space<hbm>>
          %dma_wait3A_86 = arith.constant 0 : i32
          %dma_wait3A_87 = tpu.memref_slice %arg8[%mul3A_78, %dma_wait3A_86] : memref<10128x128xf32, #tpu.memory_space<vmem_shared>> -> memref<632x128xf32, #tpu.memory_space<vmem_shared>>
          tpu.wait_dma2 semaphore(%run_scoped3A : memref<!tpu.dma_semaphore, #tpu.memory_space<semaphore_mem>>) src(%dma_wait3A_87 : memref<632x128xf32, #tpu.memory_space<vmem_shared>>) dst(%dma_wait3A_85 : memref<632x128xf32, #tpu.memory_space<hbm>>)
          tpu.yield
        }) : () -> ()
      } else {
      }
      %eq3A_72 = arith.constant 15 : i32
      %eq3A_73 = arith.cmpi eq, %arg1, %eq3A_72 : i32
      %convert_element_type3A_74 = arith.extui %eq3A_73 : i1 to i32
      %cond3A_75 = arith.constant 0 : i32
      %cond3A_76 = arith.cmpi ne, %convert_element_type3A_74, %cond3A_75 : i32
      scf.if %cond3A_76 {
        "tpu.region"() ({
          %run_scoped3A = tpu.sem_alloc : memref<!tpu.dma_semaphore, #tpu.memory_space<semaphore_mem>>
          %dma_start3A_77 = arith.constant 9480 : i32
          %dma_start3A_78 = arith.constant 0 : i32
          %dma_start3A_79 = tpu.memref_slice %arg6[%dma_start3A_77, %dma_start3A_78] : memref<10000x128xf32, #tpu.memory_space<hbm>> -> memref<520x128xf32, #tpu.memory_space<hbm>>
          %dma_start3A_80 = arith.constant 9480 : i32
          %dma_start3A_81 = arith.constant 0 : i32
          %dma_start3A_82 = tpu.memref_slice %arg8[%dma_start3A_80, %dma_start3A_81] : memref<10128x128xf32, #tpu.memory_space<vmem_shared>> -> memref<520x128xf32, #tpu.memory_space<vmem_shared>>
          tpu.enqueue_dma source(%dma_start3A_82 : memref<520x128xf32, #tpu.memory_space<vmem_shared>>) target(%dma_start3A_79 : memref<520x128xf32, #tpu.memory_space<hbm>>) target_semaphore(%run_scoped3A : memref<!tpu.dma_semaphore, #tpu.memory_space<semaphore_mem>>)
          %dma_wait3A = arith.constant 9480 : i32
          %dma_wait3A_83 = arith.constant 0 : i32
          %dma_wait3A_84 = tpu.memref_slice %arg6[%dma_wait3A, %dma_wait3A_83] : memref<10000x128xf32, #tpu.memory_space<hbm>> -> memref<520x128xf32, #tpu.memory_space<hbm>>
          %dma_wait3A_85 = arith.constant 9480 : i32
          %dma_wait3A_86 = arith.constant 0 : i32
          %dma_wait3A_87 = tpu.memref_slice %arg8[%dma_wait3A_85, %dma_wait3A_86] : memref<10128x128xf32, #tpu.memory_space<vmem_shared>> -> memref<520x128xf32, #tpu.memory_space<vmem_shared>>
          tpu.wait_dma2 semaphore(%run_scoped3A : memref<!tpu.dma_semaphore, #tpu.memory_space<semaphore_mem>>) src(%dma_wait3A_87 : memref<520x128xf32, #tpu.memory_space<vmem_shared>>) dst(%dma_wait3A_84 : memref<520x128xf32, #tpu.memory_space<hbm>>)
          tpu.yield
        }) : () -> ()
      } else {
      }
    } else {
    }
    %ne3A_63 = arith.constant 0 : i32
    %ne3A_64 = arith.cmpi ne, %arg0, %ne3A_63 : i32
    %convert_element_type3A_65 = arith.extui %ne3A_64 : i1 to i32
    %cond3A_66 = arith.constant 0 : i32
    %cond3A_67 = arith.cmpi ne, %convert_element_type3A_65, %cond3A_66 : i32
    scf.if %cond3A_67 {
      %lt3A = arith.constant 15 : i32
      %lt3A_68 = arith.cmpi slt, %arg1, %lt3A : i32
      %convert_element_type3A_69 = arith.extui %lt3A_68 : i1 to i32
      %cond3A_70 = arith.constant 0 : i32
      %cond3A_71 = arith.cmpi ne, %convert_element_type3A_69, %cond3A_70 : i32
      scf.if %cond3A_71 {
        %mul3A_77 = arith.constant 632 : i32
        %mul3A_78 = arith.muli %arg1, %mul3A_77 : i32
        %mul3A_79 = arith.constant 632 : i32
        %mul3A_80 = arith.muli %arg1, %mul3A_79 : i32
        "tpu.region"() ({
          %run_scoped3A = tpu.sem_alloc : memref<!tpu.dma_semaphore, #tpu.memory_space<semaphore_mem>>
          %dma_start3A_81 = arith.constant 0 : i32
          %dma_start3A_82 = tpu.memref_slice %arg7[%mul3A_80, %dma_start3A_81] : memref<10000x128xf32, #tpu.memory_space<hbm>> -> memref<632x128xf32, #tpu.memory_space<hbm>>
          %dma_start3A_83 = arith.constant 0 : i32
          %dma_start3A_84 = tpu.memref_slice %arg8[%mul3A_78, %dma_start3A_83] : memref<10128x128xf32, #tpu.memory_space<vmem_shared>> -> memref<632x128xf32, #tpu.memory_space<vmem_shared>>
          tpu.enqueue_dma source(%dma_start3A_84 : memref<632x128xf32, #tpu.memory_space<vmem_shared>>) target(%dma_start3A_82 : memref<632x128xf32, #tpu.memory_space<hbm>>) target_semaphore(%run_scoped3A : memref<!tpu.dma_semaphore, #tpu.memory_space<semaphore_mem>>)
          %dma_wait3A = arith.constant 0 : i32
          %dma_wait3A_85 = tpu.memref_slice %arg7[%mul3A_80, %dma_wait3A] : memref<10000x128xf32, #tpu.memory_space<hbm>> -> memref<632x128xf32, #tpu.memory_space<hbm>>
          %dma_wait3A_86 = arith.constant 0 : i32
          %dma_wait3A_87 = tpu.memref_slice %arg8[%mul3A_78, %dma_wait3A_86] : memref<10128x128xf32, #tpu.memory_space<vmem_shared>> -> memref<632x128xf32, #tpu.memory_space<vmem_shared>>
          tpu.wait_dma2 semaphore(%run_scoped3A : memref<!tpu.dma_semaphore, #tpu.memory_space<semaphore_mem>>) src(%dma_wait3A_87 : memref<632x128xf32, #tpu.memory_space<vmem_shared>>) dst(%dma_wait3A_85 : memref<632x128xf32, #tpu.memory_space<hbm>>)
          tpu.yield
        }) : () -> ()
      } else {
      }
      %eq3A_72 = arith.constant 15 : i32
      %eq3A_73 = arith.cmpi eq, %arg1, %eq3A_72 : i32
      %convert_element_type3A_74 = arith.extui %eq3A_73 : i1 to i32
      %cond3A_75 = arith.constant 0 : i32
      %cond3A_76 = arith.cmpi ne, %convert_element_type3A_74, %cond3A_75 : i32
      scf.if %cond3A_76 {
        "tpu.region"() ({
          %run_scoped3A = tpu.sem_alloc : memref<!tpu.dma_semaphore, #tpu.memory_space<semaphore_mem>>
          %dma_start3A_77 = arith.constant 9480 : i32
          %dma_start3A_78 = arith.constant 0 : i32
          %dma_start3A_79 = tpu.memref_slice %arg7[%dma_start3A_77, %dma_start3A_78] : memref<10000x128xf32, #tpu.memory_space<hbm>> -> memref<520x128xf32, #tpu.memory_space<hbm>>
          %dma_start3A_80 = arith.constant 9480 : i32
          %dma_start3A_81 = arith.constant 0 : i32
          %dma_start3A_82 = tpu.memref_slice %arg8[%dma_start3A_80, %dma_start3A_81] : memref<10128x128xf32, #tpu.memory_space<vmem_shared>> -> memref<520x128xf32, #tpu.memory_space<vmem_shared>>
          tpu.enqueue_dma source(%dma_start3A_82 : memref<520x128xf32, #tpu.memory_space<vmem_shared>>) target(%dma_start3A_79 : memref<520x128xf32, #tpu.memory_space<hbm>>) target_semaphore(%run_scoped3A : memref<!tpu.dma_semaphore, #tpu.memory_space<semaphore_mem>>)
          %dma_wait3A = arith.constant 9480 : i32
          %dma_wait3A_83 = arith.constant 0 : i32
          %dma_wait3A_84 = tpu.memref_slice %arg7[%dma_wait3A, %dma_wait3A_83] : memref<10000x128xf32, #tpu.memory_space<hbm>> -> memref<520x128xf32, #tpu.memory_space<hbm>>
          %dma_wait3A_85 = arith.constant 9480 : i32
          %dma_wait3A_86 = arith.constant 0 : i32
          %dma_wait3A_87 = tpu.memref_slice %arg8[%dma_wait3A_85, %dma_wait3A_86] : memref<10128x128xf32, #tpu.memory_space<vmem_shared>> -> memref<520x128xf32, #tpu.memory_space<vmem_shared>>
          tpu.wait_dma2 semaphore(%run_scoped3A : memref<!tpu.dma_semaphore, #tpu.memory_space<semaphore_mem>>) src(%dma_wait3A_87 : memref<520x128xf32, #tpu.memory_space<vmem_shared>>) dst(%dma_wait3A_84 : memref<520x128xf32, #tpu.memory_space<hbm>>)
          tpu.yield
        }) : () -> ()
      } else {
      }
    } else {
    }
    return
  }
}

module attributes {stable_mosaic.version = 14 : i64} {
  func.func @_mlp_block(%arg0: i32, %arg1: memref<1000x128xf32, #tpu.memory_space<vmem>>, %arg2: memref<1000x128xf32, #tpu.memory_space<vmem>>, %arg3: memref<128x128xf32, #tpu.memory_space<vmem>>, %arg4: memref<1x128xf32, #tpu.memory_space<vmem>>, %arg5: memref<128x128xf32, #tpu.memory_space<vmem>>, %arg6: memref<1x128xf32, #tpu.memory_space<vmem>>, %arg7: memref<1000x128xf32, #tpu.memory_space<vmem>>) attributes {dimension_semantics = [#tpu.dimension_semantics<arbitrary>], iteration_bounds = array<i64: 10>, scalar_prefetch = 0 : i64, scratch_operands = 0 : i64, tpu.core_type = #tpu.core_type<tc>, window_params = [{transform_indices = @transform_0, window_bounds = array<i64: 1000, 128>}, {transform_indices = @transform_1, window_bounds = array<i64: 1000, 128>}, {pipeline_mode = #tpu.pipeline_mode<synchronous>, transform_indices = @transform_2, window_bounds = array<i64: 128, 128>}, {pipeline_mode = #tpu.pipeline_mode<synchronous>, transform_indices = @transform_3, window_bounds = array<i64: 1, 128>}, {pipeline_mode = #tpu.pipeline_mode<synchronous>, transform_indices = @transform_4, window_bounds = array<i64: 128, 128>}, {pipeline_mode = #tpu.pipeline_mode<synchronous>, transform_indices = @transform_5, window_bounds = array<i64: 1, 128>}, {transform_indices = @transform_6, window_bounds = array<i64: 1000, 128>}]} {
    %get3A = arith.constant 0 : index
    %get3A_0 = arith.constant 0 : index
    %get3A_1 = vector.load %arg1[%get3A, %get3A_0] : memref<1000x128xf32, #tpu.memory_space<vmem>>, vector<1000x128xf32>
    %get3A_2 = arith.constant 0 : index
    %get3A_3 = arith.constant 0 : index
    %get3A_4 = vector.load %arg2[%get3A_2, %get3A_3] : memref<1000x128xf32, #tpu.memory_space<vmem>>, vector<1000x128xf32>
    %add3A = arith.addf %get3A_1, %get3A_4 : vector<1000x128xf32>
    %get3A_5 = arith.constant 0 : index
    %get3A_6 = arith.constant 0 : index
    %get3A_7 = vector.load %arg3[%get3A_5, %get3A_6] : memref<128x128xf32, #tpu.memory_space<vmem>>, vector<128x128xf32>
    %dot_general3A = arith.constant dense<0.000000e+00> : vector<1000x128xf32>
    %dot_general3A_8 = tpu.matmul %add3A, %get3A_7, %dot_general3A {dimension_numbers = #tpu.dot_dimension_numbers<[1], [0], [0], [1], [0, 0, 1, 1], [], []>, transpose_lhs_hint = false} : vector<1000x128xf32>, vector<128x128xf32>, vector<1000x128xf32> -> vector<1000x128xf32>
    %get3A_9 = arith.constant 0 : index
    %get3A_10 = arith.constant 0 : index
    %get3A_11 = vector.load %arg4[%get3A_9, %get3A_10] : memref<1x128xf32, #tpu.memory_space<vmem>>, vector<1x128xf32>
    %add3A_12 = vector.broadcast %get3A_11 : vector<1x128xf32> to vector<1000x128xf32>
    %add3A_13 = arith.addf %dot_general3A_8, %add3A_12 : vector<1000x128xf32>
    %max3A = arith.constant 0.000000e+00 : f32
    %max3A_14 = vector.broadcast %max3A : f32 to vector<1000x128xf32>
    %max3A_15 = arith.maximumf %add3A_13, %max3A_14 : vector<1000x128xf32>
    %get3A_16 = arith.constant 0 : index
    %get3A_17 = arith.constant 0 : index
    %get3A_18 = vector.load %arg5[%get3A_16, %get3A_17] : memref<128x128xf32, #tpu.memory_space<vmem>>, vector<128x128xf32>
    %dot_general3A_19 = arith.constant dense<0.000000e+00> : vector<1000x128xf32>
    %dot_general3A_20 = tpu.matmul %max3A_15, %get3A_18, %dot_general3A_19 {dimension_numbers = #tpu.dot_dimension_numbers<[1], [0], [0], [1], [0, 0, 1, 1], [], []>, transpose_lhs_hint = false} : vector<1000x128xf32>, vector<128x128xf32>, vector<1000x128xf32> -> vector<1000x128xf32>
    %get3A_21 = arith.constant 0 : index
    %get3A_22 = arith.constant 0 : index
    %get3A_23 = vector.load %arg6[%get3A_21, %get3A_22] : memref<1x128xf32, #tpu.memory_space<vmem>>, vector<1x128xf32>
    %add3A_24 = vector.broadcast %get3A_23 : vector<1x128xf32> to vector<1000x128xf32>
    %add3A_25 = arith.addf %dot_general3A_20, %add3A_24 : vector<1000x128xf32>
    %max3A_26 = arith.constant 0.000000e+00 : f32
    %max3A_27 = vector.broadcast %max3A_26 : f32 to vector<1000x128xf32>
    %max3A_28 = arith.maximumf %add3A_25, %max3A_27 : vector<1000x128xf32>
    %swap3A = arith.constant 0 : index
    %swap3A_29 = arith.constant 0 : index
    %swap3A_30 = vector.load %arg7[%swap3A, %swap3A_29] : memref<1000x128xf32, #tpu.memory_space<vmem>>, vector<1000x128xf32>
    tpu.vector_store %arg7[%swap3A, %swap3A_29], %max3A_28 {strides = array<i32>} : memref<1000x128xf32, #tpu.memory_space<vmem>>, vector<1000x128xf32>,
    return
  }
  func.func @transform_0(%arg0: i32) -> (i32, i32) {
    %c0_i32 = arith.constant 0 : i32
    %c0_i32_0 = arith.constant 0 : i32
    return %arg0, %c0_i32 : i32, i32
  }
  func.func @transform_1(%arg0: i32) -> (i32, i32) {
    %c0_i32 = arith.constant 0 : i32
    %c0_i32_0 = arith.constant 0 : i32
    return %arg0, %c0_i32 : i32, i32
  }
  func.func @transform_2(%arg0: i32) -> (i32, i32) {
    %c0_i32 = arith.constant 0 : i32
    %c0_i32_0 = arith.constant 0 : i32
    %c0_i32_1 = arith.constant 0 : i32
    return %c0_i32, %c0_i32_0 : i32, i32
  }
  func.func @transform_3(%arg0: i32) -> (i32, i32) {
    %c0_i32 = arith.constant 0 : i32
    %c0_i32_0 = arith.constant 0 : i32
    %c0_i32_1 = arith.constant 0 : i32
    return %c0_i32, %c0_i32_0 : i32, i32
  }
  func.func @transform_4(%arg0: i32) -> (i32, i32) {
    %c0_i32 = arith.constant 0 : i32
    %c0_i32_0 = arith.constant 0 : i32
    %c0_i32_1 = arith.constant 0 : i32
    return %c0_i32, %c0_i32_0 : i32, i32
  }
  func.func @transform_5(%arg0: i32) -> (i32, i32) {
    %c0_i32 = arith.constant 0 : i32
    %c0_i32_0 = arith.constant 0 : i32
    %c0_i32_1 = arith.constant 0 : i32
    return %c0_i32, %c0_i32_0 : i32, i32
  }
  func.func @transform_6(%arg0: i32) -> (i32, i32) {
    %c0_i32 = arith.constant 0 : i32
    %c0_i32_0 = arith.constant 0 : i32
    return %arg0, %c0_i32 : i32, i32
  }
}

module attributes {stable_mosaic.version = 14 : i64} {
  func.func @_mlp_block(%arg0: i32, %arg1: memref<1000x128xf32, #tpu.memory_space<vmem>>, %arg2: memref<1000x128xf32, #tpu.memory_space<vmem>>, %arg3: memref<128x128xf32, #tpu.memory_space<vmem>>, %arg4: memref<1x128xf32, #tpu.memory_space<vmem>>, %arg5: memref<128x128xf32, #tpu.memory_space<vmem>>, %arg6: memref<1x128xf32, #tpu.memory_space<vmem>>, %arg7: memref<1000x128xf32, #tpu.memory_space<vmem>>) attributes {dimension_semantics = [#tpu.dimension_semantics<arbitrary>], iteration_bounds = array<i64: 10>, scalar_prefetch = 0 : i64, scratch_operands = 0 : i64, tpu.core_type = #tpu.core_type<tc>, window_params = [{transform_indices = @transform_0, window_bounds = array<i64: 1000, 128>}, {transform_indices = @transform_1, window_bounds = array<i64: 1000, 128>}, {pipeline_mode = #tpu.pipeline_mode<synchronous>, transform_indices = @transform_2, window_bounds = array<i64: 128, 128>}, {pipeline_mode = #tpu.pipeline_mode<synchronous>, transform_indices = @transform_3, window_bounds = array<i64: 1, 128>}, {pipeline_mode = #tpu.pipeline_mode<synchronous>, transform_indices = @transform_4, window_bounds = array<i64: 128, 128>}, {pipeline_mode = #tpu.pipeline_mode<synchronous>, transform_indices = @transform_5, window_bounds = array<i64: 1, 128>}, {transform_indices = @transform_6, window_bounds = array<i64: 1000, 128>}]} {
    %get3A = arith.constant 0 : index
    %get3A_0 = arith.constant 0 : index
    %get3A_1 = vector.load %arg1[%get3A, %get3A_0] : memref<1000x128xf32, #tpu.memory_space<vmem>>, vector<1000x128xf32>
    %get3A_2 = arith.constant 0 : index
    %get3A_3 = arith.constant 0 : index
    %get3A_4 = vector.load %arg2[%get3A_2, %get3A_3] : memref<1000x128xf32, #tpu.memory_space<vmem>>, vector<1000x128xf32>
    %add3A = arith.addf %get3A_1, %get3A_4 : vector<1000x128xf32>
    %get3A_5 = arith.constant 0 : index
    %get3A_6 = arith.constant 0 : index
    %get3A_7 = vector.load %arg3[%get3A_5, %get3A_6] : memref<128x128xf32, #tpu.memory_space<vmem>>, vector<128x128xf32>
    %dot_general3A = arith.constant dense<0.000000e+00> : vector<1000x128xf32>
    %dot_general3A_8 = tpu.matmul %add3A, %get3A_7, %dot_general3A {dimension_numbers = #tpu.dot_dimension_numbers<[1], [0], [0], [1], [0, 0, 1, 1], [], []>, transpose_lhs_hint = false} : vector<1000x128xf32>, vector<128x128xf32>, vector<1000x128xf32> -> vector<1000x128xf32>
    %get3A_9 = arith.constant 0 : index
    %get3A_10 = arith.constant 0 : index
    %get3A_11 = vector.load %arg4[%get3A_9, %get3A_10] : memref<1x128xf32, #tpu.memory_space<vmem>>, vector<1x128xf32>
    %add3A_12 = vector.broadcast %get3A_11 : vector<1x128xf32> to vector<1000x128xf32>
    %add3A_13 = arith.addf %dot_general3A_8, %add3A_12 : vector<1000x128xf32>
    %max3A = arith.constant 0.000000e+00 : f32
    %max3A_14 = vector.broadcast %max3A : f32 to vector<1000x128xf32>
    %max3A_15 = arith.maximumf %add3A_13, %max3A_14 : vector<1000x128xf32>
    %get3A_16 = arith.constant 0 : index
    %get3A_17 = arith.constant 0 : index
    %get3A_18 = vector.load %arg5[%get3A_16, %get3A_17] : memref<128x128xf32, #tpu.memory_space<vmem>>, vector<128x128xf32>
    %dot_general3A_19 = arith.constant dense<0.000000e+00> : vector<1000x128xf32>
    %dot_general3A_20 = tpu.matmul %max3A_15, %get3A_18, %dot_general3A_19 {dimension_numbers = #tpu.dot_dimension_numbers<[1], [0], [0], [1], [0, 0, 1, 1], [], []>, transpose_lhs_hint = false} : vector<1000x128xf32>, vector<128x128xf32>, vector<1000x128xf32> -> vector<1000x128xf32>
    %get3A_21 = arith.constant 0 : index
    %get3A_22 = arith.constant 0 : index
    %get3A_23 = vector.load %arg6[%get3A_21, %get3A_22] : memref<1x128xf32, #tpu.memory_space<vmem>>, vector<1x128xf32>
    %add3A_24 = vector.broadcast %get3A_23 : vector<1x128xf32> to vector<1000x128xf32>
    %add3A_25 = arith.addf %dot_general3A_20, %add3A_24 : vector<1000x128xf32>
    %swap3A = arith.constant 0 : index
    %swap3A_26 = arith.constant 0 : index
    %swap3A_27 = vector.load %arg7[%swap3A, %swap3A_26] : memref<1000x128xf32, #tpu.memory_space<vmem>>, vector<1000x128xf32>
    tpu.vector_store %arg7[%swap3A, %swap3A_26], %add3A_25 {strides = array<i32>} : memref<1000x128xf32, #tpu.memory_space<vmem>>, vector<1000x128xf32>,
    return
  }
  func.func @transform_0(%arg0: i32) -> (i32, i32) {
    %c0_i32 = arith.constant 0 : i32
    %c0_i32_0 = arith.constant 0 : i32
    return %arg0, %c0_i32 : i32, i32
  }
  func.func @transform_1(%arg0: i32) -> (i32, i32) {
    %c0_i32 = arith.constant 0 : i32
    %c0_i32_0 = arith.constant 0 : i32
    return %arg0, %c0_i32 : i32, i32
  }
  func.func @transform_2(%arg0: i32) -> (i32, i32) {
    %c0_i32 = arith.constant 0 : i32
    %c0_i32_0 = arith.constant 0 : i32
    %c0_i32_1 = arith.constant 0 : i32
    return %c0_i32, %c0_i32_0 : i32, i32
  }
  func.func @transform_3(%arg0: i32) -> (i32, i32) {
    %c0_i32 = arith.constant 0 : i32
    %c0_i32_0 = arith.constant 0 : i32
    %c0_i32_1 = arith.constant 0 : i32
    return %c0_i32, %c0_i32_0 : i32, i32
  }
  func.func @transform_4(%arg0: i32) -> (i32, i32) {
    %c0_i32 = arith.constant 0 : i32
    %c0_i32_0 = arith.constant 0 : i32
    %c0_i32_1 = arith.constant 0 : i32
    return %c0_i32, %c0_i32_0 : i32, i32
  }
  func.func @transform_5(%arg0: i32) -> (i32, i32) {
    %c0_i32 = arith.constant 0 : i32
    %c0_i32_0 = arith.constant 0 : i32
    %c0_i32_1 = arith.constant 0 : i32
    return %c0_i32, %c0_i32_0 : i32, i32
  }
  func.func @transform_6(%arg0: i32) -> (i32, i32) {
    %c0_i32 = arith.constant 0 : i32
    %c0_i32_0 = arith.constant 0 : i32
    return %arg0, %c0_i32 : i32, i32
  }
}

</mosaic_0001>

<sc_bundles>
// kernel: kernel.6.cloned.1.call-start
scs
__scs_entry_jumppad:
0x0: {  	(pc) =	sbr.rel $0x88, $3  }
0x1: {  	(tag) =	ssettag $0x0;
	lr =	simm.s32 $0x1  }
0x2: {  	[smem:$0x3F97] =	sst lr;
	_ =	strace $0xD0000000  }
0x3: {  	_ = 	snop  }
0x4: {  	_ = 	snop  }
0x5: {  	_ = 	snop  }
0x6: {  	_ = 	snop  }
0x7: {  	_ = 	snop  }
__scs_overlays_trampoline_lowered:
0x8: {  	[smem:$0x3FA6] =	sst s0  }
0x9: {  	[smem:$0x3FA7] =	sst s1  }
0xa: {  	[smem:$0x3FA8] =	sst s2  }
0xb: {  	[smem:$0x3FA9] =	sst s3  }
0xc: {  	[smem:$0x3FAA] =	sst s4  }
0xd: {  	[smem:$0x3FAB] =	sst s5  }
0xe: {  	[smem:$0x3FAC] =	sst s6  }
0xf: {  	[smem:$0x3FAD] =	sst s7  }
0x10: {  	[smem:$0x3FAE] =	sst s8  }
0x11: {  	[smem:$0x3FAF] =	sst s9;
	s0 =	simm.s32 @!p0 $0x0  }
0x12: {  	s1 =	sld [smem:$0x3F95];
	s0 =	simm.s32 @p0 $0x1  }
0x13: {  	[smem:$0x3FB0] =	sst s0;
	s0 =	simm.s32 @!p1 $0x0  }
0x14: {  	s2 =	sld [smem:$0x3F94];
	s0 =	simm.s32 @p1 $0x1  }
0x15: {  	[smem:$0x3FB1] =	sst s0;
	s0 =	simm.s32 @!p2 $0x0  }
0x16: {  	s3 =	sld [smem:$0x3FDB];
	s0 =	simm.s32 @p2 $0x1  }
0x17: {  	s4 =	simm.s32 $0x1BF5;
	[smem:$0x3FB3] =	sst s0  }
0x18: {  	s0 =	sld [smem:$0x3F96];
	_ =	swait.ge [sflag:s4], $0x0  }
0x19: {  	s7 =	sld [smem:$0x3F97]  }
0x1a: {  	s8 =	sadd.s32 $0xFFFFE003, lr  }
0x1b: {  	s9 =	sadd.s32 $0xFFFFFEF7, lr;
	s5 =	simm.s32 $0xFFFFFFFF;
	p2 =	slt.u32 s8, $0xFFFFF086  }
0x1c: {  	p1 =	slt.u32 s9, $0xF7A;
	s5 =	simm.s32 @!p2 $0x0  }
0x1d: {  	s5 =	simm.s32 @p1 $0x1;
	p0 =	seq.s32 s7, s2  }
0x1e: {  	s7 =	smul.u32 @!p0 $0xF7A, s2;
	p2 =	seq.s32 @!p0 s5, $0x0  }
0x1f: {  	s9 =	smul.u32 $0xF7A, s1;
	s8 =	simm.s32 @!p0 $0x1BF5;
	p2 =	por !p2, p0  }
0x20: {  	[sflag:s8] =	ssyncset.s32 @!p0 $0xFFFFF086;
	s6 =	sadd.s32 @!p0 s3, s7;
	s7 =	simm.s32 @!p0 $0x108  }
0x21: {  	s3 =	sadd.s32 s3, s9;
	s6 =	sadd.s32 @!p0 $0x88, s6;
	s7 =	simm.s32 @p2 $0x1082  }
0x22: {  	[simem:s7], [sflag:s8] =	dma.local @!p0 [hbm:s6], $0xF7A  }
0x23: {  	s9 =	sor.u32 $0xD0000000, s2;
	s6 =	simm.s32 $0x108;
	_ =	swait.ge @!p0 [sflag:s8], $0x0  }
0x24: {  	s3 =	sadd.s32 $0x88, s3;
	s6 =	simm.s32 @!p1 $0x1082;
	[sflag:s4] =	ssyncset.s32 $0xFFFFF086  }
0x25: {  	[simem:s6], [sflag:s4] =	dma.local [hbm:s3], $0xF7A  }
0x26: {  	[smem:$0x3F97] =	sst s1;
	(tag) =	ssettag s2;
	_ =	strace s9  }
0x27: {  	s1 =	sld [smem:$0x3FA7]  }
0x28: {  	s2 =	sld [smem:$0x3FA8]  }
0x29: {  	s4 =	sld [smem:$0x3FAA]  }
0x2a: {  	p0 =	seq.s32 s5, $0x0;
	s5 =	sld [smem:$0x3FAB]  }
0x2b: {  	s6 =	sld [smem:$0x3FAC]  }
0x2c: {  	s7 =	sld [smem:$0x3FAD]  }
0x2d: {  	s3 =	simm.s32 $0x108;
	s8 =	sld [smem:$0x3FAE]  }
0x2e: {  	s3 =	simm.s32 @!p0 $0x1082;
	s9 =	sld [smem:$0x3FAF]  }
0x2f: {  	lr =	sadd.s32 s0, s3;
	s0 =	sld [smem:$0x3FA6]  }
0x30: {  	s3 =	sld [smem:$0x3FA9]  }
0x31: {  	[smem:$0x3FB2] =	sst s10  }
0x32: {  	s10 =	sld [smem:$0x3FB0];
	_ =	sdelay $0x3  }
0x33: {  	p0 =	seq.s32 s10, $0x1;
	s10 =	sld [smem:$0x3FB2];
	_ =	sdelay $0x3  }
0x34: {  	[smem:$0x3FB2] =	sst s10  }
0x35: {  	s10 =	sld [smem:$0x3FB1];
	_ =	sdelay $0x3  }
0x36: {  	p1 =	seq.s32 s10, $0x1;
	s10 =	sld [smem:$0x3FB2];
	_ =	sdelay $0x3  }
0x37: {  	[smem:$0x3FB2] =	sst s10  }
0x38: {  	s10 =	sld [smem:$0x3FB3]  }
0x39: {  	_ = 	snop;
	(pc) =	sbr.ind lr, $3  }
0x3a: {  	_ = 	snop  }
0x3b: {  	_ = 	snop  }
0x3c: {  	p2 =	seq.s32 s10, $0x1;
	s10 =	sld [smem:$0x3FB2]  }
0x3d: {  	_ =	shalt  }
0x3e: {  	_ =	shalt  }
0x3f: {  	_ =	shalt  }
0x40: {  	_ =	shalt  }
0x41: {  	_ =	shalt  }
0x42: {  	_ =	shalt  }
0x43: {  	_ =	shalt  }
0x44: {  	_ =	shalt  }
0x45: {  	_ =	shalt  }
0x46: {  	_ =	shalt  }
0x47: {  	_ =	shalt  }
0x48: {  	_ =	shalt  }
0x49: {  	_ =	shalt  }
0x4a: {  	_ =	shalt  }
0x4b: {  	_ =	shalt  }
0x4c: {  	_ =	shalt  }
0x4d: {  	_ =	shalt  }
0x4e: {  	_ =	shalt  }
0x4f: {  	_ =	shalt  }
0x50: {  	_ =	shalt  }
0x51: {  	_ =	shalt  }
0x52: {  	_ =	shalt  }
0x53: {  	_ =	shalt  }
0x54: {  	_ =	shalt  }
0x55: {  	_ =	shalt  }
0x56: {  	_ =	shalt  }
0x57: {  	_ =	shalt  }
0x58: {  	_ =	shalt  }
0x59: {  	_ =	shalt  }
0x5a: {  	_ =	shalt  }
0x5b: {  	_ =	shalt  }
0x5c: {  	_ =	shalt  }
0x5d: {  	_ =	shalt  }
0x5e: {  	_ =	shalt  }
0x5f: {  	_ =	shalt  }
0x60: {  	_ =	shalt  }
0x61: {  	_ =	shalt  }
0x62: {  	_ =	shalt  }
0x63: {  	_ =	shalt  }
0x64: {  	_ =	shalt  }
0x65: {  	_ =	shalt  }
0x66: {  	_ =	shalt  }
0x67: {  	_ =	shalt  }
0x68: {  	_ =	shalt  }
0x69: {  	_ =	shalt  }
0x6a: {  	_ =	shalt  }
0x6b: {  	_ =	shalt  }
0x6c: {  	_ =	shalt  }
0x6d: {  	_ =	shalt  }
0x6e: {  	_ =	shalt  }
0x6f: {  	_ =	shalt  }
0x70: {  	_ =	shalt  }
0x71: {  	_ =	shalt  }
0x72: {  	_ =	shalt  }
0x73: {  	_ =	shalt  }
0x74: {  	_ =	shalt  }
0x75: {  	_ =	shalt  }
0x76: {  	_ =	shalt  }
0x77: {  	_ =	shalt  }
0x78: {  	_ =	shalt  }
0x79: {  	_ =	shalt  }
0x7a: {  	_ =	shalt  }
0x7b: {  	_ =	shalt  }
0x7c: {  	_ =	shalt  }
0x7d: {  	_ =	shalt  }
0x7e: {  	_ =	shalt  }
0x7f: {  	_ =	shalt  }
0x80: {  	_ =	shalt  }
0x81: {  	_ =	shalt  }
0x82: {  	_ =	shalt  }
0x83: {  	_ =	shalt  }
0x84: {  	_ =	shalt  }
0x85: {  	_ =	shalt  }
0x86: {  	_ =	shalt  }
0x87: {  	_ =	shalt  }
.Lfunc_end0:
.L_simem_size_0:
called_computation_lowered:
.L_overlay_start_0:
0x88: {  	s2 =	sld [smem:$0x3FD9]  }
0x89: {  	s3 =	sld [smem:$0x3FFE];
	_ =	sdelay $0x1  }
0x8a: {  	s1 =	srdreg.scid  }
0x8b: {  	s0 =	sand.u32 $0x1, s1  }
0x8c: {  	s17 =	sshll.u32 s0, $0xA;
	s2 =	sadd.s32 s3, s2  }
0x8d: {  	s2 =	sadd.s32 s2, s17  }
0x8e: {  	[smem:$0x3FBE] =	sst s2  }
0x8f: {  	_ = 	snop  }
0x90: {  	s2 =	sld [smem:$0x3FC9]  }
0x91: {  	s18 =	sld [smem:$0x3FD0];
	(tm) =	ssettm $0x1  }
0x92: {  	s4 =	sld [smem:$0x3FFB];
	_ =	sdelay $0x3  }
0x93: {  	_ =	strace s4  }
0x94: {  	s4 =	sld [smem:$0x3FFC];
	_ =	sdelay $0x3  }
0x95: {  	_ =	strace s4  }
0x96: {  	s4 =	sld [smem:$0x3FFD];
	_ =	sdelay $0x3  }
0x97: {  	_ =	strace s4  }
0x98: {  	_ =	strace $0x8FFFFFFF  }
0x99: {  	s19 =	sld [smem:$0x3FDB];
	_ =	sdelay $0x1  }
0x9a: {  	s5 =	simm.s32 $_scs_section_size  }
0x9b: {  	s6 =	simm.s32 $_size__tile_overlayer_lowered;
	s7 =	simm.s32 $_tile_overlayer_lowered  }
0x9c: {  	s22 =	simm.s32 $0x1BFF;
	s21 =	sshll.u32 s7, $0x1;
	s4 =	sadd.s32 s5, s19  }
0x9d: {  	s8 =	simm.s32 $0x0;
	s20 =	sshll.u32 s6, $0x1;
	s6 =	sadd.s32 s21, s4  }
0x9e: {  	[timem:s8], [sflag:s22] =	dma.local [hbm:s6], s20  }
0x9f: {  	_ =	swait.ge [sflag:s22], s20  }
0xa0: {  	s5 =	ssub.s32 $0x0, s20;
	[sflag:s22] =	ssyncset.done $0x0  }
0xa1: {  	[sflag:s22] =	ssyncadd.s32 s5;
	_ =	sdelay $0x1  }
0xa2: {  	s23 =	simm.s32 $0x1B8B  }
0xa3: {  	_ =	swait.ge [sflag:s23], $0x1  }
0xa4: {  	[sflag:s23] =	ssyncset.done $0x0  }
0xa5: {  	s25 =	simm.s32 $0x1B8E;
	s24 =	sld [smem:$0x3FFE];
	[sflag:s23] =	ssyncadd.s32 $0xFFFFFFFF  }
0xa6: {  	s26 =	simm.s32 $execute0_lowered;
	[smem:$0x3FD2] =	sst s25  }
0xa7: {  	s6 =	sshll.u32 s26, $0x1;
	_ =	strace $0x80000046;
	[dreg:$0x1] =	wrdreg $0xFFFFFFFF  }
0xa8: {  	s28 =	simm.s32 $_size_execute0_lowered;
	s4 =	sadd.s32 s4, s6;
	[dreg:$0x0] =	wrdreg $0x0  }
0xa9: {  	s6 =	sshll.u32 s28, $0x1;
	[dreg:$0x2] =	wrdreg s4  }
0xaa: {  	[dreg:$0x3] =	wrdreg s6  }
0xab: {  	[dreg:$0x4] =	wrdreg $0xC0  }
0xac: {  	_ =	task [dreg:s8], $0x5FFFF  }
0xad: {  	[dreg:$0x1] =	wrdreg $0xFFFFFFFF  }
0xae: {  	[dreg:$0x0] =	wrdreg $0x60  }
0xaf: {  	[dreg:$0x2] =	wrdreg s2  }
0xb0: {  	[dreg:$0x3] =	wrdreg s24  }
0xb1: {  	[dreg:$0x4] =	wrdreg s18  }
0xb2: {  	[dreg:$0x5] =	wrdreg $0x0  }
0xb3: {  	[dreg:$0x6] =	wrdreg $0x9  }
0xb4: {  	_ =	task.clear_ibuf [dreg:s8], $0x7FFFF;
	_ =	strace $0x90000046  }
0xb5: {  	s29 =	simm.s32 $0x9;
	_ =	strace $0x80000048  }
0xb6: {  	_ =	swait.ge [sflag:s29], $0x1  }
0xb7: {  	[sflag:s29] =	ssyncadd.s32 $0xFFFFFFFF  }
0xb8: {  	_ =	strace $0x90000048  }
0xb9: {  	_ =	sfence  }
0xba: {  	s30 =	sld [smem:$0x0];
	_ =	sdelay $0x2  }
0xbb: {  	s31 =	sshll.u32 s1, $0xD;
	s1 =	sshrl.u32 s1, $0x2  }
0xbc: {  	s3 =	sand.u32 $0x4000, s31;
	s1 =	sadd.s32 s1, s30  }
0xbd: {  	s0 =	sor.u32 s3, s0;
	s1 =	sshll.u32 s1, $0x11  }
0xbe: {  	s0 =	sor.u32 s1, s0  }
0xbf: {  	s0 =	sadd.s32 $0x8F2B, s0  }
0xc0: {  	[sflag:s0] =	ssyncadd.remote.s32 $0x1  }
0xc1: {  	_ =	sfence.sel $0xFFFF  }
0xc2: {  	[dreg:$0x0] =	wrdreg $0xFFFFFFFF;
	(pc) =	sbr.abs _section_cstart, $3  }
0xc3: {  	[dreg:$0x1] =	wrdreg $0xFFFFFFFF  }
0xc4: {  	_ =	task.clear_ibuf [dreg:s8], $0x2FFFF;
	_ =	strace $0x9FFFFFFF  }
0xc5: {  	(tm) =	ssettm $0x7FFFFFFF  }
tec
execute0_lowered:
.L_overlay_start_1:
0x0: {  	(tag) =	ssettag $0x1  }
0x1: {  	s1 =	rddreg [dreg:$0x0]  }
0x2: {  	s0 =	rddreg [dreg:$0x1]  }
0x3: {  	s3 =	rddreg [dreg:$0x2]  }
0x4: {  	s2 =	rddreg [dreg:$0x3];
	s4 =	simm.s32 $0x0;
	s26 =	stileid.u32  }
0x5: {  	s6 =	srdreg.scid;
	s28 =	simm.s32 $0x1;
	s29 =	simm.s32 $0x2  }
0x6: {  	s30 =	simm.s32 $0x16380;
	s31 =	simm.s32 $0x16400;
	[smem:$0x7FF] =	sst s4  }
0x7: {  	s17 =	sadd.s32 $0xC200, s0;
	s5 =	sadd.s32 $0x2200, s0;
	s8 =	smul.u32 $0x2780, s26  }
0x8: {  	s6 =	sand.u32 $0x1, s6;
	s7 =	sshll.u32 s26, $0x1;
	s10 =	smul.u32 $0x4F000, s26  }
0x9: {  	s25 =	sadd.s32 $0x25080, s1;
	s16 =	sadd.s32 $0x62480, s0;
	_ =	strace $0x80000047  }
0xa: {  	s9 =	ssub.s32 $0x2, s6;
	s7 =	sor.u32 s6, s7;
	[dreg:$0xa] =	wrdreg s25  }
0xb: {  	p3 =	sne.s32 s6, $0x0;
	s25 =	simm.s32 $0x13D00;
	s11 =	sadd.s32 s8, s0  }
0xc: {  	s12 =	sshrl.u32 s9, $0x1;
	s13 =	smul.u32 $0x500, s7;
	s18 =	sshrl.u32 s10, $0x2  }
0xd: {  	s19 =	smul.u32 $0x2800, s7;
	s22 =	sadd.s32 s3, s8;
	s3 =	sadd.s32 $0x25080, s3  }
0xe: {  	s23 =	sadd.s32 s1, s8;
	p1 =	seq.s32 @p3 s26, $0xF;
	p4 =	seq.s32 @!p3 s26, $0xF  }
0xf: {  	s26 =	simm.s32 $0x1A480;
	s12 =	ssub.s32 s9, s12;
	[dreg:$0x7] =	wrdreg s22  }
0x10: {  	s7 =	sadd.s32 s18, s2;
	s9 =	sadd.s32 $0x128400, s2;
	[dreg:$0x8] =	wrdreg s3  }
0x11: {  	[dreg:$0x9] =	wrdreg s23;
	s15 =	sadd.s32 $0x3D400, s11;
	s18 =	sadd.s32 $0x3B280, s0  }
0x12: {  	s22 =	simm.s32 $0x15080;
	s23 =	simm.s32 $0x80;
	p0 =	por !p1, !p3  }
0x13: {  	p1 =	por p1, !p3;
	p2 =	por !p4, p3;
	p3 =	por p4, p3  }
0x14: {  	s0 =	simm.s32 $0x0;
	s20 =	sadd.s32 s17, s13;
	s21 =	sadd.s32 s5, s13  }
0x15: {  	s10 =	sshrl.u32 s19, $0x3;
	s19 =	smax.u32 s12, $0x1;
	[dreg:$0x5] =	wrdreg s20  }
0x16: {  	[dreg:$0x6] =	wrdreg s21;
	s24 =	sadd.s32 $0x280, s10;
	s20 =	simm.s32 $0x13C80  }
0x17: {  	s21 =	simm.s32 $0x3;
	s4 =	sadd.s32 s17, s24;
	s14 =	sadd.s32 s5, s24  }
0x18: {  	s17 =	sadd.s32 $0x16200, s11;
	s24 =	simm.s32 $0x16480;
	[dreg:$0xb] =	wrdreg s4  }
.LBB2_1:
0x19: {  	s3 =	simm.s32 $0x0;
	s4 =	rddreg [dreg:$0x5]  }
0x1a: {  	[tilespmem:s20], [sflag:$0x3] =	stream.linear.gather [hbm4b:s4+s3], $0x1400, $0x38;
	[tilespmem:$0x1E480] =	vst v63  }
0x1b: {  	_ =	swait.ge [sflag:s21], $0x1400  }
0x1c: {  	[sflag:s21] =	ssyncset.done $0x0  }
0x1d: {  	s12 =	rddreg [dreg:$0x6];
	[sflag:s21] =	ssyncadd.s32 $0xFFFFEC00  }
0x1e: {  	[tilespmem:s22], [sflag:$0x3] =	stream.linear.gather [hbm4b:s12+s3], $0x1400, $0x38;
	[tilespmem:$0x1E480] =	vst v63  }
0x1f: {  	_ =	swait.ge [sflag:s21], $0x1400  }
0x20: {  	[sflag:s21] =	ssyncset.done $0x0  }
0x21: {  	[sflag:s21] =	ssyncadd.s32 $0xFFFFEC00  }
0x22: {  	[tilespmem:s24], [sflag:$0x1] =	stream.indirect.gather [hbm4b:s1+s23], $0x80, s20, s23, $0xb8;
	[tilespmem:$0x1E480] =	vst v63  }
0x23: {  	s4 =	simm.s32 @!p0 $0x1FC3;
	s3 =	sshrl.u32 @!p0 s9, $0x3;
	s5 =	rddreg [dreg:$0x8]  }
0x24: {  	[tilespmem:s26], [sflag:$0x2] =	stream.indirect.gather [hbm4b:s1+s23], $0x80, s25, s23, $0xb8;
	[tilespmem:$0x1E480] =	vst v63  }
0x25: {  	[spmem:s3], [sflag:s4] =	dma.local @!p0 [hbm:s5], $0x2080  }
0x26: {  	s4 =	simm.s32 @!p0 $0x3  }
0x27: {  	s10 =	stileid.u32;
	_ =	swait.ge @!p0 [sflag:s4], $0x2080  }
0x28: {  	s6 =	sshrl.u32 @!p1 s7, $0x3;
	s5 =	sshll.u32 @!p1 s10, $0x6;
	[sflag:s4] =	ssyncset.done @!p0 $0x0  }
0x29: {  	s5 =	sor.u32 @!p1 $0x1C03, s5;
	[sflag:s4] =	ssyncadd.s32 @!p0 $0xFFFFDF80;
	s4 =	rddreg [dreg:$0x7]  }
0x2a: {  	[spmem:s6], [sflag:s5] =	dma.local @!p1 [hbm:s4], $0x2780  }
0x2b: {  	s4 =	simm.s32 @!p1 $0x3  }
0x2c: {  	_ =	swait.ge @!p1 [sflag:s4], $0x2780  }
0x2d: {  	s8 =	sshrl.u32 @!p2 s9, $0x3;
	[sflag:s4] =	ssyncset.done @!p1 $0x0  }
0x2e: {  	s11 =	rddreg [dreg:$0xa];
	[sflag:s4] =	ssyncadd.s32 @!p1 $0xFFFFD880;
	s4 =	simm.s32 @!p2 $0x1FC3  }
0x2f: {  	[spmem:s8], [sflag:s4] =	dma.local @!p2 [hbm:s11], $0x2080  }
0x30: {  	s4 =	simm.s32 @!p2 $0x3  }
0x31: {  	_ =	swait.ge @!p2 [sflag:s4], $0x2080  }
0x32: {  	s10 =	sshll.u32 @!p3 s10, $0x6;
	[sflag:s4] =	ssyncset.done @!p2 $0x0;
	s11 =	rddreg [dreg:$0x9]  }
0x33: {  	[sflag:s4] =	ssyncadd.s32 @!p2 $0xFFFFDF80;
	s4 =	sor.u32 @!p3 $0x1C03, s10;
	s10 =	sshrl.u32 @!p3 s7, $0x3  }
0x34: {  	[spmem:s10], [sflag:s4] =	dma.local @!p3 [hbm:s11], $0x2780  }
0x35: {  	s11 =	simm.s32 @!p3 $0x3  }
0x36: {  	_ =	swait.ge @!p3 [sflag:s11], $0x2780  }
0x37: {  	[sflag:s11] =	ssyncset.done @!p3 $0x0  }
0x38: {  	[sflag:s11] =	ssyncadd.s32 @!p3 $0xFFFFD880  }
0x39: {  	[bflag:$0x0] =	sbarrier.arrive $0xFFFF  }
0x3a: {  	_ =	swait.ge [sflag:s28], $0x4000  }
0x3b: {  	[sflag:s28] =	ssyncset.done $0x0  }
0x3c: {  	s13 =	simm.s32 $0x15080;
	[sflag:s28] =	ssyncadd.s32 $0xFFFFC000  }
0x3d: {  	[spmem:s2] =	stream.indirect.scatter.add.f32 [tilespmem:s24], [sflag:$0x3], $0x80, s13, s23, $0xb8;
	[tilespmem:$0x1E480] =	vst v63  }
0x3e: {  	_ =	swait.ge [sflag:s21], $0x4000  }
0x3f: {  	[sflag:s21] =	ssyncset.done $0x0  }
0x40: {  	s12 =	simm.s32 $0x13D80;
	[sflag:s21] =	ssyncadd.s32 $0xFFFFC000  }
0x41: {  	[tilespmem:s24], [sflag:$0x1] =	stream.indirect.gather [hbm4b:s1+s23], $0x80, s12, s23, $0xb8;
	[tilespmem:$0x1E480] =	vst v63  }
0x42: {  	_ =	swait.ge [sflag:s29], $0x4000  }
0x43: {  	[sflag:s29] =	ssyncset.done $0x0  }
0x44: {  	s13 =	simm.s32 $0x15100;
	[sflag:s29] =	ssyncadd.s32 $0xFFFFC000  }
0x45: {  	[spmem:s2] =	stream.indirect.scatter.add.f32 [tilespmem:s26], [sflag:$0x3], $0x80, s13, s23, $0xb8;
	[tilespmem:$0x1E480] =	vst v63  }
0x46: {  	_ =	swait.ge [sflag:s21], $0x4000  }
0x47: {  	[sflag:s21] =	ssyncset.done $0x0  }
0x48: {  	s11 =	simm.s32 $0x400;
	s12 =	simm.s32 $0x13E00;
	[sflag:s21] =	ssyncadd.s32 $0xFFFFC000  }
.LBB2_2:
0x49: {  	[tilespmem:s26], [sflag:$0x2] =	stream.indirect.gather [hbm4b:s1+s23], $0x80, s12, s23, $0xb8;
	[tilespmem:$0x1E480] =	vst v63  }
0x4a: {  	s12 =	smov.u32 s11  }
0x4b: {  	p4 =	sne.s32 s11, $0x4800;
	s11 =	sadd.s32 $0x400, s11;
	_ =	swait.ge [sflag:s28], $0x4000  }
0x4c: {  	s12 =	sshra.s32 s12, $0x2;
	[sflag:s28] =	ssyncset.done $0x0  }
0x4d: {  	s13 =	sadd.s32 $0x15080, s12;
	[sflag:s28] =	ssyncadd.s32 $0xFFFFC000  }
0x4e: {  	[spmem:s2] =	stream.indirect.scatter.add.f32 [tilespmem:s24], [sflag:$0x3], $0x80, s13, s23, $0xb8;
	[tilespmem:$0x1E480] =	vst v63  }
0x4f: {  	_ =	swait.ge [sflag:s21], $0x4000  }
0x50: {  	[sflag:s21] =	ssyncset.done $0x0  }
0x51: {  	s13 =	sadd.s32 $0x13D80, s12;
	[sflag:s21] =	ssyncadd.s32 $0xFFFFC000  }
0x52: {  	[tilespmem:s24], [sflag:$0x1] =	stream.indirect.gather [hbm4b:s1+s23], $0x80, s13, s23, $0xb8;
	[tilespmem:$0x1E480] =	vst v63  }
0x53: {  	_ =	swait.ge [sflag:s29], $0x4000  }
0x54: {  	[sflag:s29] =	ssyncset.done $0x0  }
.Ltmp0:
0x55: {  	s13 =	sadd.s32 $0x15100, s12;
	[sflag:s29] =	ssyncadd.s32 $0xFFFFC000;
	(pc) =	sbr.rel @p4 .LBB2_2-.Ltmp0, $4  }
0x56: {  	[spmem:s2] =	stream.indirect.scatter.add.f32 [tilespmem:s26], [sflag:$0x3], $0x80, s13, s23, $0xb8;
	[tilespmem:$0x1E480] =	vst v63  }
0x57: {  	_ =	swait.ge [sflag:s21], $0x4000  }
0x58: {  	[sflag:s21] =	ssyncset.done $0x0  }
0x59: {  	s12 =	sadd.s32 $0x13E00, s12;
	[sflag:s21] =	ssyncadd.s32 $0xFFFFC000  }
0x5a: {  	[tilespmem:s26], [sflag:$0x2] =	stream.indirect.gather [hbm4b:s1+s23], $0x80, s12, s23, $0xb8;
	[tilespmem:$0x1E480] =	vst v63  }
0x5b: {  	_ =	swait.ge [sflag:s28], $0x4000  }
0x5c: {  	[sflag:s28] =	ssyncset.done $0x0  }
0x5d: {  	[sflag:s28] =	ssyncadd.s32 $0xFFFFC000  }
0x5e: {  	[spmem:s2] =	stream.indirect.scatter.add.f32 [tilespmem:s24], [sflag:$0x3], $0x80, s30, s23, $0xb8;
	[tilespmem:$0x1E480] =	vst v63  }
0x5f: {  	_ =	swait.ge [sflag:s21], $0x4000  }
0x60: {  	[sflag:s21] =	ssyncset.done $0x0  }
0x61: {  	[sflag:s21] =	ssyncadd.s32 $0xFFFFC000  }
0x62: {  	_ =	swait.ge [sflag:s29], $0x4000  }
0x63: {  	[sflag:s29] =	ssyncset.done $0x0  }
0x64: {  	[sflag:s29] =	ssyncadd.s32 $0xFFFFC000  }
0x65: {  	[spmem:s2] =	stream.indirect.scatter.add.f32 [tilespmem:s26], [sflag:$0x3], $0x80, s31, s23, $0xb8;
	[tilespmem:$0x1E480] =	vst v63  }
0x66: {  	_ =	swait.ge [sflag:s21], $0x4000  }
0x67: {  	[sflag:s21] =	ssyncset.done $0x0  }
0x68: {  	s11 =	simm.s32 $0x0;
	s13 =	rddreg [dreg:$0xb];
	[sflag:s21] =	ssyncadd.s32 $0xFFFFC000  }
0x69: {  	[tilespmem:s20], [sflag:$0x3] =	stream.linear.gather [hbm4b:s13+s11], $0x1400, $0x38;
	[tilespmem:$0x1E480] =	vst v63  }
0x6a: {  	_ =	swait.ge [sflag:s21], $0x1400  }
0x6b: {  	[sflag:s21] =	ssyncset.done $0x0  }
0x6c: {  	[sflag:s21] =	ssyncadd.s32 $0xFFFFEC00  }
0x6d: {  	[tilespmem:s22], [sflag:$0x3] =	stream.linear.gather [hbm4b:s14+s11], $0x1400, $0x38;
	[tilespmem:$0x1E480] =	vst v63  }
0x6e: {  	_ =	swait.ge [sflag:s21], $0x1400  }
0x6f: {  	[sflag:s21] =	ssyncset.done $0x0  }
0x70: {  	[sflag:s21] =	ssyncadd.s32 $0xFFFFEC00  }
0x71: {  	[tilespmem:s24], [sflag:$0x1] =	stream.indirect.gather [hbm4b:s1+s23], $0x80, s20, s23, $0xb8;
	[tilespmem:$0x1E480] =	vst v63  }
0x72: {  	_ = 	snop  }
0x73: {  	[tilespmem:s26], [sflag:$0x2] =	stream.indirect.gather [hbm4b:s1+s23], $0x80, s25, s23, $0xb8;
	[tilespmem:$0x1E480] =	vst v63  }
0x74: {  	_ =	swait.ge [sflag:s28], $0x4000  }
0x75: {  	[sflag:s28] =	ssyncset.done $0x0  }
0x76: {  	s13 =	simm.s32 $0x15080;
	[sflag:s28] =	ssyncadd.s32 $0xFFFFC000  }
0x77: {  	[spmem:s2] =	stream.indirect.scatter.add.f32 [tilespmem:s24], [sflag:$0x3], $0x80, s13, s23, $0xb8;
	[tilespmem:$0x1E480] =	vst v63  }
0x78: {  	_ =	swait.ge [sflag:s21], $0x4000  }
0x79: {  	[sflag:s21] =	ssyncset.done $0x0  }
0x7a: {  	s12 =	simm.s32 $0x13D80;
	[sflag:s21] =	ssyncadd.s32 $0xFFFFC000  }
0x7b: {  	[tilespmem:s24], [sflag:$0x1] =	stream.indirect.gather [hbm4b:s1+s23], $0x80, s12, s23, $0xb8;
	[tilespmem:$0x1E480] =	vst v63  }
0x7c: {  	_ =	swait.ge [sflag:s29], $0x4000  }
0x7d: {  	[sflag:s29] =	ssyncset.done $0x0  }
0x7e: {  	s13 =	simm.s32 $0x15100;
	[sflag:s29] =	ssyncadd.s32 $0xFFFFC000  }
0x7f: {  	[spmem:s2] =	stream.indirect.scatter.add.f32 [tilespmem:s26], [sflag:$0x3], $0x80, s13, s23, $0xb8;
	[tilespmem:$0x1E480] =	vst v63  }
0x80: {  	_ =	swait.ge [sflag:s21], $0x4000  }
0x81: {  	[sflag:s21] =	ssyncset.done $0x0  }
0x82: {  	s11 =	simm.s32 $0x400;
	s12 =	simm.s32 $0x13E00;
	[sflag:s21] =	ssyncadd.s32 $0xFFFFC000  }
.LBB2_4:
0x83: {  	[tilespmem:s26], [sflag:$0x2] =	stream.indirect.gather [hbm4b:s1+s23], $0x80, s12, s23, $0xb8;
	[tilespmem:$0x1E480] =	vst v63  }
0x84: {  	s12 =	smov.u32 s11  }
0x85: {  	p4 =	sne.s32 s11, $0x4800;
	s11 =	sadd.s32 $0x400, s11;
	_ =	swait.ge [sflag:s28], $0x4000  }
0x86: {  	s12 =	sshra.s32 s12, $0x2;
	[sflag:s28] =	ssyncset.done $0x0  }
0x87: {  	s13 =	sadd.s32 $0x15080, s12;
	[sflag:s28] =	ssyncadd.s32 $0xFFFFC000  }
0x88: {  	[spmem:s2] =	stream.indirect.scatter.add.f32 [tilespmem:s24], [sflag:$0x3], $0x80, s13, s23, $0xb8;
	[tilespmem:$0x1E480] =	vst v63  }
0x89: {  	_ =	swait.ge [sflag:s21], $0x4000  }
0x8a: {  	[sflag:s21] =	ssyncset.done $0x0  }
0x8b: {  	s13 =	sadd.s32 $0x13D80, s12;
	[sflag:s21] =	ssyncadd.s32 $0xFFFFC000  }
0x8c: {  	[tilespmem:s24], [sflag:$0x1] =	stream.indirect.gather [hbm4b:s1+s23], $0x80, s13, s23, $0xb8;
	[tilespmem:$0x1E480] =	vst v63  }
0x8d: {  	_ =	swait.ge [sflag:s29], $0x4000  }
0x8e: {  	[sflag:s29] =	ssyncset.done $0x0  }
.Ltmp1:
0x8f: {  	s13 =	sadd.s32 $0x15100, s12;
	[sflag:s29] =	ssyncadd.s32 $0xFFFFC000;
	(pc) =	sbr.rel @p4 .LBB2_4-.Ltmp1, $4  }
0x90: {  	[spmem:s2] =	stream.indirect.scatter.add.f32 [tilespmem:s26], [sflag:$0x3], $0x80, s13, s23, $0xb8;
	[tilespmem:$0x1E480] =	vst v63  }
0x91: {  	_ =	swait.ge [sflag:s21], $0x4000  }
0x92: {  	[sflag:s21] =	ssyncset.done $0x0  }
0x93: {  	s12 =	sadd.s32 $0x13E00, s12;
	[sflag:s21] =	ssyncadd.s32 $0xFFFFC000  }
0x94: {  	[tilespmem:s26], [sflag:$0x2] =	stream.indirect.gather [hbm4b:s1+s23], $0x80, s12, s23, $0xb8;
	[tilespmem:$0x1E480] =	vst v63  }
0x95: {  	_ =	swait.ge [sflag:s28], $0x4000  }
0x96: {  	[sflag:s28] =	ssyncset.done $0x0  }
0x97: {  	[sflag:s28] =	ssyncadd.s32 $0xFFFFC000  }
0x98: {  	[spmem:s2] =	stream.indirect.scatter.add.f32 [tilespmem:s24], [sflag:$0x3], $0x80, s30, s23, $0xb8;
	[tilespmem:$0x1E480] =	vst v63  }
0x99: {  	_ =	swait.ge [sflag:s21], $0x4000  }
0x9a: {  	[sflag:s21] =	ssyncset.done $0x0  }
0x9b: {  	[sflag:s21] =	ssyncadd.s32 $0xFFFFC000  }
0x9c: {  	_ =	swait.ge [sflag:s29], $0x4000  }
0x9d: {  	[sflag:s29] =	ssyncset.done $0x0  }
0x9e: {  	[sflag:s29] =	ssyncadd.s32 $0xFFFFC000  }
0x9f: {  	[spmem:s2] =	stream.indirect.scatter.add.f32 [tilespmem:s26], [sflag:$0x3], $0x80, s31, s23, $0xb8;
	[tilespmem:$0x1E480] =	vst v63  }
0xa0: {  	_ =	swait.ge [sflag:s21], $0x4000  }
0xa1: {  	[sflag:s21] =	ssyncset.done $0x0  }
0xa2: {  	[sflag:s21] =	ssyncadd.s32 $0xFFFFC000  }
0xa3: {  	s11 =	simm.s32 @!p0 $0x1FC3;
	[bflag:$0x0] =	sbarrier.arrive $0xFFFF  }
0xa4: {  	[hbm:s16], [sflag:s11] =	dma.local @!p0 [spmem:s3], $0x2080  }
0xa5: {  	s3 =	simm.s32 @!p0 $0x3  }
0xa6: {  	_ =	swait.ge @!p0 [sflag:s3], $0x2080  }
0xa7: {  	[sflag:s3] =	ssyncset.done @!p0 $0x0  }
0xa8: {  	[sflag:s3] =	ssyncadd.s32 @!p0 $0xFFFFDF80;
	s3 =	simm.s32 @!p1 $0x3  }
0xa9: {  	[hbm:s15], [sflag:s5] =	dma.local @!p1 [spmem:s6], $0x2780  }
0xaa: {  	_ =	swait.ge @!p1 [sflag:s3], $0x2780  }
0xab: {  	[sflag:s3] =	ssyncset.done @!p1 $0x0  }
0xac: {  	[sflag:s3] =	ssyncadd.s32 @!p1 $0xFFFFD880;
	s3 =	simm.s32 @!p2 $0x1FC3  }
0xad: {  	[hbm:s18], [sflag:s3] =	dma.local @!p2 [spmem:s8], $0x2080  }
0xae: {  	s3 =	simm.s32 @!p2 $0x3  }
0xaf: {  	s0 =	sadd.s32 $0x1, s0;
	_ =	swait.ge @!p2 [sflag:s3], $0x2080  }
0xb0: {  	p4 =	sne.s32 s0, s19;
	[sflag:s3] =	ssyncset.done @!p2 $0x0  }
.Ltmp2:
0xb1: {  	[sflag:s3] =	ssyncadd.s32 @!p2 $0xFFFFDF80;
	s3 =	simm.s32 @!p3 $0x3;
	(pc) =	sbr.rel @p4 .LBB2_1-.Ltmp2, $4  }
0xb2: {  	[hbm:s17], [sflag:s4] =	dma.local @!p3 [spmem:s10], $0x2780  }
0xb3: {  	_ =	swait.ge @!p3 [sflag:s3], $0x2780  }
0xb4: {  	[sflag:s3] =	ssyncset.done @!p3 $0x0  }
0xb5: {  	[sflag:s3] =	ssyncadd.s32 @!p3 $0xFFFFD880  }
0xb6: {  	_ =	sfence.sel $0x180000  }
0xb7: {  	[bflag:$0x0] =	sbarrier.arrive $0xFFFF  }
0xb8: {  	_ =	strace $0x90000047  }
0xb9: {  	s0 =	stileid.u32;
	[bflag:$0x2] =	sbarrier.arrive $0xFFFF  }
0xba: {  	p0 =	sne.s32 s0, $0x0;
	s0 =	rddreg [dreg:$0x4]  }
0xbb: {  	s0 =	sadd.s32 @!p0 $0x100000, s0  }
0xbc: {  	[sflag:s0] =	ssyncadd.tile.s32 @!p0 $0x1;
	_ =	shalt  }
.Lfunc_end2:
_tile_overlayer_lowered:
.L_overlay_start_2:
0xbd: {  	(tag) =	ssettag $0x2  }
0xbe: {  	s0 =	rddreg [dreg:$0x0];
	s2 =	stileid.u32  }
0xbf: {  	s1 =	rddreg [dreg:$0x1];
	p0 =	sne.s32 s2, $0x0  }
0xc0: {  	s3 =	rddreg [dreg:$0x2];
	[bflag:$0x3] =	sbarrier.arrive $0xFFFF;
	s2 =	simm.s32 @!p0 $0x1C03  }
0xc1: {  	[timem:s3], [sflag:s2] =	dma.local @!p0 [hbm:s0], s1  }
0xc2: {  	s0 =	simm.s32 @!p0 $0x3  }
0xc3: {  	_ =	swait.ge @!p0 [sflag:s0], s1  }
0xc4: {  	s1 =	ssub.s32 @!p0 $0x0, s1;
	[sflag:s0] =	ssyncset.done @!p0 $0x0  }
0xc5: {  	[sflag:s0] =	ssyncadd.s32 @!p0 s1  }
0xc6: {  	[bflag:$0x3] =	sbarrier.arrive $0xFFFF  }
0xc7: {  	_ =	shalt  }

// kernel: kernel.9.cloned.1.call-start
scs
__scs_entry_jumppad:
0x0: {  	(pc) =	sbr.rel $0x88, $3  }
0x1: {  	(tag) =	ssettag $0x0;
	lr =	simm.s32 $0x1  }
0x2: {  	[smem:$0x3F97] =	sst lr;
	_ =	strace $0xD0000000  }
0x3: {  	_ = 	snop  }
0x4: {  	_ = 	snop  }
0x5: {  	_ = 	snop  }
0x6: {  	_ = 	snop  }
0x7: {  	_ = 	snop  }
__scs_overlays_trampoline_lowered:
0x8: {  	[smem:$0x3FA6] =	sst s0  }
0x9: {  	[smem:$0x3FA7] =	sst s1  }
0xa: {  	[smem:$0x3FA8] =	sst s2  }
0xb: {  	[smem:$0x3FA9] =	sst s3  }
0xc: {  	[smem:$0x3FAA] =	sst s4  }
0xd: {  	[smem:$0x3FAB] =	sst s5  }
0xe: {  	[smem:$0x3FAC] =	sst s6  }
0xf: {  	[smem:$0x3FAD] =	sst s7  }
0x10: {  	[smem:$0x3FAE] =	sst s8  }
0x11: {  	[smem:$0x3FAF] =	sst s9;
	s0 =	simm.s32 @!p0 $0x0  }
0x12: {  	s1 =	sld [smem:$0x3F95];
	s0 =	simm.s32 @p0 $0x1  }
0x13: {  	[smem:$0x3FB0] =	sst s0;
	s0 =	simm.s32 @!p1 $0x0  }
0x14: {  	s2 =	sld [smem:$0x3F94];
	s0 =	simm.s32 @p1 $0x1  }
0x15: {  	[smem:$0x3FB1] =	sst s0;
	s0 =	simm.s32 @!p2 $0x0  }
0x16: {  	s3 =	sld [smem:$0x3FDB];
	s0 =	simm.s32 @p2 $0x1  }
0x17: {  	s4 =	simm.s32 $0x1BF5;
	[smem:$0x3FB3] =	sst s0  }
0x18: {  	s0 =	sld [smem:$0x3F96];
	_ =	swait.ge [sflag:s4], $0x0  }
0x19: {  	s7 =	sld [smem:$0x3F97]  }
0x1a: {  	s8 =	sadd.s32 $0xFFFFE003, lr  }
0x1b: {  	s9 =	sadd.s32 $0xFFFFFEF7, lr;
	s5 =	simm.s32 $0xFFFFFFFF;
	p2 =	slt.u32 s8, $0xFFFFF086  }
0x1c: {  	p1 =	slt.u32 s9, $0xF7A;
	s5 =	simm.s32 @!p2 $0x0  }
0x1d: {  	s5 =	simm.s32 @p1 $0x1;
	p0 =	seq.s32 s7, s2  }
0x1e: {  	s7 =	smul.u32 @!p0 $0xF7A, s2;
	p2 =	seq.s32 @!p0 s5, $0x0  }
0x1f: {  	s9 =	smul.u32 $0xF7A, s1;
	s8 =	simm.s32 @!p0 $0x1BF5;
	p2 =	por !p2, p0  }
0x20: {  	[sflag:s8] =	ssyncset.s32 @!p0 $0xFFFFF086;
	s6 =	sadd.s32 @!p0 s3, s7;
	s7 =	simm.s32 @!p0 $0x108  }
0x21: {  	s3 =	sadd.s32 s3, s9;
	s6 =	sadd.s32 @!p0 $0x88, s6;
	s7 =	simm.s32 @p2 $0x1082  }
0x22: {  	[simem:s7], [sflag:s8] =	dma.local @!p0 [hbm:s6], $0xF7A  }
0x23: {  	s9 =	sor.u32 $0xD0000000, s2;
	s6 =	simm.s32 $0x108;
	_ =	swait.ge @!p0 [sflag:s8], $0x0  }
0x24: {  	s3 =	sadd.s32 $0x88, s3;
	s6 =	simm.s32 @!p1 $0x1082;
	[sflag:s4] =	ssyncset.s32 $0xFFFFF086  }
0x25: {  	[simem:s6], [sflag:s4] =	dma.local [hbm:s3], $0xF7A  }
0x26: {  	[smem:$0x3F97] =	sst s1;
	(tag) =	ssettag s2;
	_ =	strace s9  }
0x27: {  	s1 =	sld [smem:$0x3FA7]  }
0x28: {  	s2 =	sld [smem:$0x3FA8]  }
0x29: {  	s4 =	sld [smem:$0x3FAA]  }
0x2a: {  	p0 =	seq.s32 s5, $0x0;
	s5 =	sld [smem:$0x3FAB]  }
0x2b: {  	s6 =	sld [smem:$0x3FAC]  }
0x2c: {  	s7 =	sld [smem:$0x3FAD]  }
0x2d: {  	s3 =	simm.s32 $0x108;
	s8 =	sld [smem:$0x3FAE]  }
0x2e: {  	s3 =	simm.s32 @!p0 $0x1082;
	s9 =	sld [smem:$0x3FAF]  }
0x2f: {  	lr =	sadd.s32 s0, s3;
	s0 =	sld [smem:$0x3FA6]  }
0x30: {  	s3 =	sld [smem:$0x3FA9]  }
0x31: {  	[smem:$0x3FB2] =	sst s10  }
0x32: {  	s10 =	sld [smem:$0x3FB0];
	_ =	sdelay $0x3  }
0x33: {  	p0 =	seq.s32 s10, $0x1;
	s10 =	sld [smem:$0x3FB2];
	_ =	sdelay $0x3  }
0x34: {  	[smem:$0x3FB2] =	sst s10  }
0x35: {  	s10 =	sld [smem:$0x3FB1];
	_ =	sdelay $0x3  }
0x36: {  	p1 =	seq.s32 s10, $0x1;
	s10 =	sld [smem:$0x3FB2];
	_ =	sdelay $0x3  }
0x37: {  	[smem:$0x3FB2] =	sst s10  }
0x38: {  	s10 =	sld [smem:$0x3FB3]  }
0x39: {  	_ = 	snop;
	(pc) =	sbr.ind lr, $3  }
0x3a: {  	_ = 	snop  }
0x3b: {  	_ = 	snop  }
0x3c: {  	p2 =	seq.s32 s10, $0x1;
	s10 =	sld [smem:$0x3FB2]  }
0x3d: {  	_ =	shalt  }
0x3e: {  	_ =	shalt  }
0x3f: {  	_ =	shalt  }
0x40: {  	_ =	shalt  }
0x41: {  	_ =	shalt  }
0x42: {  	_ =	shalt  }
0x43: {  	_ =	shalt  }
0x44: {  	_ =	shalt  }
0x45: {  	_ =	shalt  }
0x46: {  	_ =	shalt  }
0x47: {  	_ =	shalt  }
0x48: {  	_ =	shalt  }
0x49: {  	_ =	shalt  }
0x4a: {  	_ =	shalt  }
0x4b: {  	_ =	shalt  }
0x4c: {  	_ =	shalt  }
0x4d: {  	_ =	shalt  }
0x4e: {  	_ =	shalt  }
0x4f: {  	_ =	shalt  }
0x50: {  	_ =	shalt  }
0x51: {  	_ =	shalt  }
0x52: {  	_ =	shalt  }
0x53: {  	_ =	shalt  }
0x54: {  	_ =	shalt  }
0x55: {  	_ =	shalt  }
0x56: {  	_ =	shalt  }
0x57: {  	_ =	shalt  }
0x58: {  	_ =	shalt  }
0x59: {  	_ =	shalt  }
0x5a: {  	_ =	shalt  }
0x5b: {  	_ =	shalt  }
0x5c: {  	_ =	shalt  }
0x5d: {  	_ =	shalt  }
0x5e: {  	_ =	shalt  }
0x5f: {  	_ =	shalt  }
0x60: {  	_ =	shalt  }
0x61: {  	_ =	shalt  }
0x62: {  	_ =	shalt  }
0x63: {  	_ =	shalt  }
0x64: {  	_ =	shalt  }
0x65: {  	_ =	shalt  }
0x66: {  	_ =	shalt  }
0x67: {  	_ =	shalt  }
0x68: {  	_ =	shalt  }
0x69: {  	_ =	shalt  }
0x6a: {  	_ =	shalt  }
0x6b: {  	_ =	shalt  }
0x6c: {  	_ =	shalt  }
0x6d: {  	_ =	shalt  }
0x6e: {  	_ =	shalt  }
0x6f: {  	_ =	shalt  }
0x70: {  	_ =	shalt  }
0x71: {  	_ =	shalt  }
0x72: {  	_ =	shalt  }
0x73: {  	_ =	shalt  }
0x74: {  	_ =	shalt  }
0x75: {  	_ =	shalt  }
0x76: {  	_ =	shalt  }
0x77: {  	_ =	shalt  }
0x78: {  	_ =	shalt  }
0x79: {  	_ =	shalt  }
0x7a: {  	_ =	shalt  }
0x7b: {  	_ =	shalt  }
0x7c: {  	_ =	shalt  }
0x7d: {  	_ =	shalt  }
0x7e: {  	_ =	shalt  }
0x7f: {  	_ =	shalt  }
0x80: {  	_ =	shalt  }
0x81: {  	_ =	shalt  }
0x82: {  	_ =	shalt  }
0x83: {  	_ =	shalt  }
0x84: {  	_ =	shalt  }
0x85: {  	_ =	shalt  }
0x86: {  	_ =	shalt  }
0x87: {  	_ =	shalt  }
.Lfunc_end0:
.L_simem_size_0:
called_computation.1_lowered:
.L_overlay_start_0:
0x88: {  	s2 =	sld [smem:$0x3FD9]  }
0x89: {  	s3 =	sld [smem:$0x3FFE];
	_ =	sdelay $0x1  }
0x8a: {  	s1 =	srdreg.scid  }
0x8b: {  	s0 =	sand.u32 $0x1, s1  }
0x8c: {  	s17 =	sshll.u32 s0, $0xA;
	s2 =	sadd.s32 s3, s2  }
0x8d: {  	s2 =	sadd.s32 s2, s17  }
0x8e: {  	[smem:$0x3FBE] =	sst s2  }
0x8f: {  	_ = 	snop  }
0x90: {  	s2 =	sld [smem:$0x3FD0];
	(tm) =	ssettm $0x1  }
0x91: {  	s18 =	sld [smem:$0x3FFB];
	_ =	sdelay $0x3  }
0x92: {  	_ =	strace s18  }
0x93: {  	s3 =	sld [smem:$0x3FFC];
	_ =	sdelay $0x3  }
0x94: {  	_ =	strace s3  }
0x95: {  	s3 =	sld [smem:$0x3FFD];
	_ =	sdelay $0x3  }
0x96: {  	_ =	strace s3  }
0x97: {  	_ =	strace $0x8FFFFFFF  }
0x98: {  	s19 =	sld [smem:$0x3FDB];
	_ =	sdelay $0x1  }
0x99: {  	s4 =	simm.s32 $_scs_section_size  }
0x9a: {  	s5 =	simm.s32 $_size__tile_overlayer_lowered;
	s6 =	simm.s32 $_tile_overlayer_lowered  }
0x9b: {  	s22 =	simm.s32 $0x1BFF;
	s21 =	sshll.u32 s6, $0x1;
	s3 =	sadd.s32 s4, s19  }
0x9c: {  	s7 =	simm.s32 $0x0;
	s20 =	sshll.u32 s5, $0x1;
	s5 =	sadd.s32 s21, s3  }
0x9d: {  	[timem:s7], [sflag:s22] =	dma.local [hbm:s5], s20  }
0x9e: {  	_ =	swait.ge [sflag:s22], s20  }
0x9f: {  	s4 =	ssub.s32 $0x0, s20;
	[sflag:s22] =	ssyncset.done $0x0  }
0xa0: {  	[sflag:s22] =	ssyncadd.s32 s4;
	_ =	sdelay $0x1  }
0xa1: {  	s23 =	simm.s32 $0x1B8B  }
0xa2: {  	_ =	swait.ge [sflag:s23], $0x1  }
0xa3: {  	[sflag:s23] =	ssyncset.done $0x0  }
0xa4: {  	s25 =	simm.s32 $0x1B8E;
	s24 =	sld [smem:$0x3FFE];
	[sflag:s23] =	ssyncadd.s32 $0xFFFFFFFF  }
0xa5: {  	s26 =	simm.s32 $execute0_lowered;
	[smem:$0x3FD2] =	sst s25  }
0xa6: {  	s5 =	sshll.u32 s26, $0x1;
	_ =	strace $0x80000049;
	[dreg:$0x1] =	wrdreg $0xFFFFFFFF  }
0xa7: {  	s28 =	simm.s32 $_size_execute0_lowered;
	s3 =	sadd.s32 s3, s5;
	[dreg:$0x0] =	wrdreg $0x0  }
0xa8: {  	s5 =	sshll.u32 s28, $0x1;
	[dreg:$0x2] =	wrdreg s3  }
0xa9: {  	[dreg:$0x3] =	wrdreg s5  }
0xaa: {  	[dreg:$0x4] =	wrdreg $0xC0  }
0xab: {  	_ =	task [dreg:s7], $0x5FFFF  }
0xac: {  	[dreg:$0x1] =	wrdreg $0xFFFFFFFF  }
0xad: {  	[dreg:$0x0] =	wrdreg $0x60  }
0xae: {  	[dreg:$0x2] =	wrdreg s24  }
0xaf: {  	[dreg:$0x3] =	wrdreg s2  }
0xb0: {  	[dreg:$0x4] =	wrdreg $0x0  }
0xb1: {  	[dreg:$0x5] =	wrdreg $0x9  }
0xb2: {  	_ =	task.clear_ibuf [dreg:s7], $0x6FFFF;
	_ =	strace $0x90000049  }
0xb3: {  	s29 =	simm.s32 $0x9;
	_ =	strace $0x8000004B  }
0xb4: {  	_ =	swait.ge [sflag:s29], $0x1  }
0xb5: {  	[sflag:s29] =	ssyncadd.s32 $0xFFFFFFFF  }
0xb6: {  	_ =	strace $0x9000004B  }
0xb7: {  	_ =	sfence  }
0xb8: {  	s30 =	sld [smem:$0x0];
	_ =	sdelay $0x2  }
0xb9: {  	s31 =	sshll.u32 s1, $0xD;
	s1 =	sshrl.u32 s1, $0x2  }
0xba: {  	s3 =	sand.u32 $0x4000, s31;
	s1 =	sadd.s32 s1, s30  }
0xbb: {  	s0 =	sor.u32 s3, s0;
	s1 =	sshll.u32 s1, $0x11  }
0xbc: {  	s0 =	sor.u32 s1, s0  }
0xbd: {  	s0 =	sadd.s32 $0x8F2B, s0  }
0xbe: {  	[sflag:s0] =	ssyncadd.remote.s32 $0x1  }
0xbf: {  	_ =	sfence.sel $0xFFFF  }
0xc0: {  	[dreg:$0x0] =	wrdreg $0xFFFFFFFF;
	(pc) =	sbr.abs _section_cstart, $3  }
0xc1: {  	[dreg:$0x1] =	wrdreg $0xFFFFFFFF  }
0xc2: {  	_ =	task.clear_ibuf [dreg:s7], $0x2FFFF;
	_ =	strace $0x9FFFFFFF  }
0xc3: {  	(tm) =	ssettm $0x7FFFFFFF  }
tec
execute0_lowered:
.L_overlay_start_1:
0x0: {  	(tag) =	ssettag $0x1  }
0x1: {  	s0 =	rddreg [dreg:$0x0]  }
0x2: {  	s2 =	rddreg [dreg:$0x1]  }
0x3: {  	s1 =	rddreg [dreg:$0x2]  }
0x4: {  	s3 =	simm.s32 $0x0;
	s26 =	stileid.u32;
	s6 =	srdreg.scid  }
0x5: {  	s28 =	simm.s32 $0x1;
	s29 =	simm.s32 $0x2;
	s30 =	simm.s32 $0x16380  }
0x6: {  	s31 =	simm.s32 $0x16400;
	[smem:$0x7FF] =	sst s3;
	s4 =	sadd.s32 $0x16200, s0  }
0x7: {  	s17 =	sadd.s32 $0xC200, s0;
	s5 =	sadd.s32 $0x2200, s0;
	s8 =	smul.u32 $0x2780, s26  }
0x8: {  	s6 =	sand.u32 $0x1, s6;
	s7 =	sshll.u32 s26, $0x1;
	s10 =	smul.u32 $0x4F000, s26  }
0x9: {  	s25 =	sadd.s32 $0x3B280, s0;
	s16 =	sadd.s32 $0x89680, s0;
	_ =	strace $0x8000004A  }
0xa: {  	s9 =	ssub.s32 $0x2, s6;
	s7 =	sor.u32 s6, s7;
	[dreg:$0x9] =	wrdreg s25  }
0xb: {  	p3 =	sne.s32 s6, $0x0;
	s25 =	simm.s32 $0x13D00;
	s11 =	sadd.s32 s8, s0  }
0xc: {  	s12 =	sshrl.u32 s9, $0x1;
	s13 =	smul.u32 $0x500, s7;
	s18 =	sshrl.u32 s10, $0x2  }
0xd: {  	s19 =	smul.u32 $0x2800, s7;
	s22 =	sadd.s32 s2, s8;
	s2 =	sadd.s32 $0x25080, s2  }
0xe: {  	s23 =	sadd.s32 s4, s8;
	p1 =	seq.s32 @p3 s26, $0xF;
	p4 =	seq.s32 @!p3 s26, $0xF  }
0xf: {  	s26 =	simm.s32 $0x1A480;
	s12 =	ssub.s32 s9, s12;
	[dreg:$0x6] =	wrdreg s22  }
0x10: {  	s7 =	sadd.s32 s18, s1;
	s9 =	sadd.s32 $0x128400, s1;
	[dreg:$0x7] =	wrdreg s2  }
0x11: {  	[dreg:$0x8] =	wrdreg s23;
	s15 =	sadd.s32 $0x64600, s11;
	s18 =	sadd.s32 $0x62480, s0  }
0x12: {  	s22 =	simm.s32 $0x15080;
	s23 =	simm.s32 $0x80;
	p0 =	por !p1, !p3  }
0x13: {  	p1 =	por p1, !p3;
	p2 =	por !p4, p3;
	p3 =	por p4, p3  }
0x14: {  	s0 =	simm.s32 $0x0;
	s20 =	sadd.s32 s17, s13;
	s21 =	sadd.s32 s5, s13  }
0x15: {  	s10 =	sshrl.u32 s19, $0x3;
	s19 =	smax.u32 s12, $0x1;
	[dreg:$0x4] =	wrdreg s20  }
0x16: {  	[dreg:$0x5] =	wrdreg s21;
	s24 =	sadd.s32 $0x280, s10;
	s20 =	simm.s32 $0x13C80  }
0x17: {  	s21 =	simm.s32 $0x3;
	s3 =	sadd.s32 s17, s24;
	s14 =	sadd.s32 s5, s24  }
0x18: {  	s17 =	sadd.s32 $0x3D400, s11;
	s24 =	simm.s32 $0x16480;
	[dreg:$0xa] =	wrdreg s3  }
.LBB2_1:
0x19: {  	s2 =	simm.s32 $0x0;
	s3 =	rddreg [dreg:$0x4]  }
0x1a: {  	[tilespmem:s20], [sflag:$0x3] =	stream.linear.gather [hbm4b:s3+s2], $0x1400, $0x38;
	[tilespmem:$0x1E480] =	vst v63  }
0x1b: {  	_ =	swait.ge [sflag:s21], $0x1400  }
0x1c: {  	[sflag:s21] =	ssyncset.done $0x0  }
0x1d: {  	s12 =	rddreg [dreg:$0x5];
	[sflag:s21] =	ssyncadd.s32 $0xFFFFEC00  }
0x1e: {  	[tilespmem:s22], [sflag:$0x3] =	stream.linear.gather [hbm4b:s12+s2], $0x1400, $0x38;
	[tilespmem:$0x1E480] =	vst v63  }
0x1f: {  	_ =	swait.ge [sflag:s21], $0x1400  }
0x20: {  	[sflag:s21] =	ssyncset.done $0x0  }
0x21: {  	[sflag:s21] =	ssyncadd.s32 $0xFFFFEC00  }
0x22: {  	[tilespmem:s24], [sflag:$0x1] =	stream.indirect.gather [hbm4b:s4+s23], $0x80, s20, s23, $0xb8;
	[tilespmem:$0x1E480] =	vst v63  }
0x23: {  	s3 =	simm.s32 @!p0 $0x1FC3;
	s2 =	sshrl.u32 @!p0 s9, $0x3;
	s5 =	rddreg [dreg:$0x7]  }
0x24: {  	[tilespmem:s26], [sflag:$0x2] =	stream.indirect.gather [hbm4b:s4+s23], $0x80, s25, s23, $0xb8;
	[tilespmem:$0x1E480] =	vst v63  }
0x25: {  	[spmem:s2], [sflag:s3] =	dma.local @!p0 [hbm:s5], $0x2080  }
0x26: {  	s3 =	simm.s32 @!p0 $0x3  }
0x27: {  	s10 =	stileid.u32;
	_ =	swait.ge @!p0 [sflag:s3], $0x2080  }
0x28: {  	s6 =	sshrl.u32 @!p1 s7, $0x3;
	s5 =	sshll.u32 @!p1 s10, $0x6;
	[sflag:s3] =	ssyncset.done @!p0 $0x0  }
0x29: {  	s5 =	sor.u32 @!p1 $0x1C03, s5;
	[sflag:s3] =	ssyncadd.s32 @!p0 $0xFFFFDF80;
	s3 =	rddreg [dreg:$0x6]  }
0x2a: {  	[spmem:s6], [sflag:s5] =	dma.local @!p1 [hbm:s3], $0x2780  }
0x2b: {  	s3 =	simm.s32 @!p1 $0x3  }
0x2c: {  	_ =	swait.ge @!p1 [sflag:s3], $0x2780  }
0x2d: {  	s8 =	sshrl.u32 @!p2 s9, $0x3;
	[sflag:s3] =	ssyncset.done @!p1 $0x0  }
0x2e: {  	s11 =	rddreg [dreg:$0x9];
	[sflag:s3] =	ssyncadd.s32 @!p1 $0xFFFFD880;
	s3 =	simm.s32 @!p2 $0x1FC3  }
0x2f: {  	[spmem:s8], [sflag:s3] =	dma.local @!p2 [hbm:s11], $0x2080  }
0x30: {  	s3 =	simm.s32 @!p2 $0x3  }
0x31: {  	_ =	swait.ge @!p2 [sflag:s3], $0x2080  }
0x32: {  	s10 =	sshll.u32 @!p3 s10, $0x6;
	[sflag:s3] =	ssyncset.done @!p2 $0x0;
	s11 =	rddreg [dreg:$0x8]  }
0x33: {  	[sflag:s3] =	ssyncadd.s32 @!p2 $0xFFFFDF80;
	s3 =	sor.u32 @!p3 $0x1C03, s10;
	s10 =	sshrl.u32 @!p3 s7, $0x3  }
0x34: {  	[spmem:s10], [sflag:s3] =	dma.local @!p3 [hbm:s11], $0x2780  }
0x35: {  	s11 =	simm.s32 @!p3 $0x3  }
0x36: {  	_ =	swait.ge @!p3 [sflag:s11], $0x2780  }
0x37: {  	[sflag:s11] =	ssyncset.done @!p3 $0x0  }
0x38: {  	[sflag:s11] =	ssyncadd.s32 @!p3 $0xFFFFD880  }
0x39: {  	[bflag:$0x0] =	sbarrier.arrive $0xFFFF  }
0x3a: {  	_ =	swait.ge [sflag:s28], $0x4000  }
0x3b: {  	[sflag:s28] =	ssyncset.done $0x0  }
0x3c: {  	s13 =	simm.s32 $0x15080;
	[sflag:s28] =	ssyncadd.s32 $0xFFFFC000  }
0x3d: {  	[spmem:s1] =	stream.indirect.scatter.add.f32 [tilespmem:s24], [sflag:$0x3], $0x80, s13, s23, $0xb8;
	[tilespmem:$0x1E480] =	vst v63  }
0x3e: {  	_ =	swait.ge [sflag:s21], $0x4000  }
0x3f: {  	[sflag:s21] =	ssyncset.done $0x0  }
0x40: {  	s12 =	simm.s32 $0x13D80;
	[sflag:s21] =	ssyncadd.s32 $0xFFFFC000  }
0x41: {  	[tilespmem:s24], [sflag:$0x1] =	stream.indirect.gather [hbm4b:s4+s23], $0x80, s12, s23, $0xb8;
	[tilespmem:$0x1E480] =	vst v63  }
0x42: {  	_ =	swait.ge [sflag:s29], $0x4000  }
0x43: {  	[sflag:s29] =	ssyncset.done $0x0  }
0x44: {  	s13 =	simm.s32 $0x15100;
	[sflag:s29] =	ssyncadd.s32 $0xFFFFC000  }
0x45: {  	[spmem:s1] =	stream.indirect.scatter.add.f32 [tilespmem:s26], [sflag:$0x3], $0x80, s13, s23, $0xb8;
	[tilespmem:$0x1E480] =	vst v63  }
0x46: {  	_ =	swait.ge [sflag:s21], $0x4000  }
0x47: {  	[sflag:s21] =	ssyncset.done $0x0  }
0x48: {  	s11 =	simm.s32 $0x400;
	s12 =	simm.s32 $0x13E00;
	[sflag:s21] =	ssyncadd.s32 $0xFFFFC000  }
.LBB2_2:
0x49: {  	[tilespmem:s26], [sflag:$0x2] =	stream.indirect.gather [hbm4b:s4+s23], $0x80, s12, s23, $0xb8;
	[tilespmem:$0x1E480] =	vst v63  }
0x4a: {  	s12 =	smov.u32 s11  }
0x4b: {  	p4 =	sne.s32 s11, $0x4800;
	s11 =	sadd.s32 $0x400, s11;
	_ =	swait.ge [sflag:s28], $0x4000  }
0x4c: {  	s12 =	sshra.s32 s12, $0x2;
	[sflag:s28] =	ssyncset.done $0x0  }
0x4d: {  	s13 =	sadd.s32 $0x15080, s12;
	[sflag:s28] =	ssyncadd.s32 $0xFFFFC000  }
0x4e: {  	[spmem:s1] =	stream.indirect.scatter.add.f32 [tilespmem:s24], [sflag:$0x3], $0x80, s13, s23, $0xb8;
	[tilespmem:$0x1E480] =	vst v63  }
0x4f: {  	_ =	swait.ge [sflag:s21], $0x4000  }
0x50: {  	[sflag:s21] =	ssyncset.done $0x0  }
0x51: {  	s13 =	sadd.s32 $0x13D80, s12;
	[sflag:s21] =	ssyncadd.s32 $0xFFFFC000  }
0x52: {  	[tilespmem:s24], [sflag:$0x1] =	stream.indirect.gather [hbm4b:s4+s23], $0x80, s13, s23, $0xb8;
	[tilespmem:$0x1E480] =	vst v63  }
0x53: {  	_ =	swait.ge [sflag:s29], $0x4000  }
0x54: {  	[sflag:s29] =	ssyncset.done $0x0  }
.Ltmp0:
0x55: {  	s13 =	sadd.s32 $0x15100, s12;
	[sflag:s29] =	ssyncadd.s32 $0xFFFFC000;
	(pc) =	sbr.rel @p4 .LBB2_2-.Ltmp0, $4  }
0x56: {  	[spmem:s1] =	stream.indirect.scatter.add.f32 [tilespmem:s26], [sflag:$0x3], $0x80, s13, s23, $0xb8;
	[tilespmem:$0x1E480] =	vst v63  }
0x57: {  	_ =	swait.ge [sflag:s21], $0x4000  }
0x58: {  	[sflag:s21] =	ssyncset.done $0x0  }
0x59: {  	s12 =	sadd.s32 $0x13E00, s12;
	[sflag:s21] =	ssyncadd.s32 $0xFFFFC000  }
0x5a: {  	[tilespmem:s26], [sflag:$0x2] =	stream.indirect.gather [hbm4b:s4+s23], $0x80, s12, s23, $0xb8;
	[tilespmem:$0x1E480] =	vst v63  }
0x5b: {  	_ =	swait.ge [sflag:s28], $0x4000  }
0x5c: {  	[sflag:s28] =	ssyncset.done $0x0  }
0x5d: {  	[sflag:s28] =	ssyncadd.s32 $0xFFFFC000  }
0x5e: {  	[spmem:s1] =	stream.indirect.scatter.add.f32 [tilespmem:s24], [sflag:$0x3], $0x80, s30, s23, $0xb8;
	[tilespmem:$0x1E480] =	vst v63  }
0x5f: {  	_ =	swait.ge [sflag:s21], $0x4000  }
0x60: {  	[sflag:s21] =	ssyncset.done $0x0  }
0x61: {  	[sflag:s21] =	ssyncadd.s32 $0xFFFFC000  }
0x62: {  	_ =	swait.ge [sflag:s29], $0x4000  }
0x63: {  	[sflag:s29] =	ssyncset.done $0x0  }
0x64: {  	[sflag:s29] =	ssyncadd.s32 $0xFFFFC000  }
0x65: {  	[spmem:s1] =	stream.indirect.scatter.add.f32 [tilespmem:s26], [sflag:$0x3], $0x80, s31, s23, $0xb8;
	[tilespmem:$0x1E480] =	vst v63  }
0x66: {  	_ =	swait.ge [sflag:s21], $0x4000  }
0x67: {  	[sflag:s21] =	ssyncset.done $0x0  }
0x68: {  	s11 =	simm.s32 $0x0;
	s13 =	rddreg [dreg:$0xa];
	[sflag:s21] =	ssyncadd.s32 $0xFFFFC000  }
0x69: {  	[tilespmem:s20], [sflag:$0x3] =	stream.linear.gather [hbm4b:s13+s11], $0x1400, $0x38;
	[tilespmem:$0x1E480] =	vst v63  }
0x6a: {  	_ =	swait.ge [sflag:s21], $0x1400  }
0x6b: {  	[sflag:s21] =	ssyncset.done $0x0  }
0x6c: {  	[sflag:s21] =	ssyncadd.s32 $0xFFFFEC00  }
0x6d: {  	[tilespmem:s22], [sflag:$0x3] =	stream.linear.gather [hbm4b:s14+s11], $0x1400, $0x38;
	[tilespmem:$0x1E480] =	vst v63  }
0x6e: {  	_ =	swait.ge [sflag:s21], $0x1400  }
0x6f: {  	[sflag:s21] =	ssyncset.done $0x0  }
0x70: {  	[sflag:s21] =	ssyncadd.s32 $0xFFFFEC00  }
0x71: {  	[tilespmem:s24], [sflag:$0x1] =	stream.indirect.gather [hbm4b:s4+s23], $0x80, s20, s23, $0xb8;
	[tilespmem:$0x1E480] =	vst v63  }
0x72: {  	_ = 	snop  }
0x73: {  	[tilespmem:s26], [sflag:$0x2] =	stream.indirect.gather [hbm4b:s4+s23], $0x80, s25, s23, $0xb8;
	[tilespmem:$0x1E480] =	vst v63  }
0x74: {  	_ =	swait.ge [sflag:s28], $0x4000  }
0x75: {  	[sflag:s28] =	ssyncset.done $0x0  }
0x76: {  	s13 =	simm.s32 $0x15080;
	[sflag:s28] =	ssyncadd.s32 $0xFFFFC000  }
0x77: {  	[spmem:s1] =	stream.indirect.scatter.add.f32 [tilespmem:s24], [sflag:$0x3], $0x80, s13, s23, $0xb8;
	[tilespmem:$0x1E480] =	vst v63  }
0x78: {  	_ =	swait.ge [sflag:s21], $0x4000  }
0x79: {  	[sflag:s21] =	ssyncset.done $0x0  }
0x7a: {  	s12 =	simm.s32 $0x13D80;
	[sflag:s21] =	ssyncadd.s32 $0xFFFFC000  }
0x7b: {  	[tilespmem:s24], [sflag:$0x1] =	stream.indirect.gather [hbm4b:s4+s23], $0x80, s12, s23, $0xb8;
	[tilespmem:$0x1E480] =	vst v63  }
0x7c: {  	_ =	swait.ge [sflag:s29], $0x4000  }
0x7d: {  	[sflag:s29] =	ssyncset.done $0x0  }
0x7e: {  	s13 =	simm.s32 $0x15100;
	[sflag:s29] =	ssyncadd.s32 $0xFFFFC000  }
0x7f: {  	[spmem:s1] =	stream.indirect.scatter.add.f32 [tilespmem:s26], [sflag:$0x3], $0x80, s13, s23, $0xb8;
	[tilespmem:$0x1E480] =	vst v63  }
0x80: {  	_ =	swait.ge [sflag:s21], $0x4000  }
0x81: {  	[sflag:s21] =	ssyncset.done $0x0  }
0x82: {  	s11 =	simm.s32 $0x400;
	s12 =	simm.s32 $0x13E00;
	[sflag:s21] =	ssyncadd.s32 $0xFFFFC000  }
.LBB2_4:
0x83: {  	[tilespmem:s26], [sflag:$0x2] =	stream.indirect.gather [hbm4b:s4+s23], $0x80, s12, s23, $0xb8;
	[tilespmem:$0x1E480] =	vst v63  }
0x84: {  	s12 =	smov.u32 s11  }
0x85: {  	p4 =	sne.s32 s11, $0x4800;
	s11 =	sadd.s32 $0x400, s11;
	_ =	swait.ge [sflag:s28], $0x4000  }
0x86: {  	s12 =	sshra.s32 s12, $0x2;
	[sflag:s28] =	ssyncset.done $0x0  }
0x87: {  	s13 =	sadd.s32 $0x15080, s12;
	[sflag:s28] =	ssyncadd.s32 $0xFFFFC000  }
0x88: {  	[spmem:s1] =	stream.indirect.scatter.add.f32 [tilespmem:s24], [sflag:$0x3], $0x80, s13, s23, $0xb8;
	[tilespmem:$0x1E480] =	vst v63  }
0x89: {  	_ =	swait.ge [sflag:s21], $0x4000  }
0x8a: {  	[sflag:s21] =	ssyncset.done $0x0  }
0x8b: {  	s13 =	sadd.s32 $0x13D80, s12;
	[sflag:s21] =	ssyncadd.s32 $0xFFFFC000  }
0x8c: {  	[tilespmem:s24], [sflag:$0x1] =	stream.indirect.gather [hbm4b:s4+s23], $0x80, s13, s23, $0xb8;
	[tilespmem:$0x1E480] =	vst v63  }
0x8d: {  	_ =	swait.ge [sflag:s29], $0x4000  }
0x8e: {  	[sflag:s29] =	ssyncset.done $0x0  }
.Ltmp1:
0x8f: {  	s13 =	sadd.s32 $0x15100, s12;
	[sflag:s29] =	ssyncadd.s32 $0xFFFFC000;
	(pc) =	sbr.rel @p4 .LBB2_4-.Ltmp1, $4  }
0x90: {  	[spmem:s1] =	stream.indirect.scatter.add.f32 [tilespmem:s26], [sflag:$0x3], $0x80, s13, s23, $0xb8;
	[tilespmem:$0x1E480] =	vst v63  }
0x91: {  	_ =	swait.ge [sflag:s21], $0x4000  }
0x92: {  	[sflag:s21] =	ssyncset.done $0x0  }
0x93: {  	s12 =	sadd.s32 $0x13E00, s12;
	[sflag:s21] =	ssyncadd.s32 $0xFFFFC000  }
0x94: {  	[tilespmem:s26], [sflag:$0x2] =	stream.indirect.gather [hbm4b:s4+s23], $0x80, s12, s23, $0xb8;
	[tilespmem:$0x1E480] =	vst v63  }
0x95: {  	_ =	swait.ge [sflag:s28], $0x4000  }
0x96: {  	[sflag:s28] =	ssyncset.done $0x0  }
0x97: {  	[sflag:s28] =	ssyncadd.s32 $0xFFFFC000  }
0x98: {  	[spmem:s1] =	stream.indirect.scatter.add.f32 [tilespmem:s24], [sflag:$0x3], $0x80, s30, s23, $0xb8;
	[tilespmem:$0x1E480] =	vst v63  }
0x99: {  	_ =	swait.ge [sflag:s21], $0x4000  }
0x9a: {  	[sflag:s21] =	ssyncset.done $0x0  }
0x9b: {  	[sflag:s21] =	ssyncadd.s32 $0xFFFFC000  }
0x9c: {  	_ =	swait.ge [sflag:s29], $0x4000  }
0x9d: {  	[sflag:s29] =	ssyncset.done $0x0  }
0x9e: {  	[sflag:s29] =	ssyncadd.s32 $0xFFFFC000  }
0x9f: {  	[spmem:s1] =	stream.indirect.scatter.add.f32 [tilespmem:s26], [sflag:$0x3], $0x80, s31, s23, $0xb8;
	[tilespmem:$0x1E480] =	vst v63  }
0xa0: {  	_ =	swait.ge [sflag:s21], $0x4000  }
0xa1: {  	[sflag:s21] =	ssyncset.done $0x0  }
0xa2: {  	[sflag:s21] =	ssyncadd.s32 $0xFFFFC000  }
0xa3: {  	s11 =	simm.s32 @!p0 $0x1FC3;
	[bflag:$0x0] =	sbarrier.arrive $0xFFFF  }
0xa4: {  	[hbm:s16], [sflag:s11] =	dma.local @!p0 [spmem:s2], $0x2080  }
0xa5: {  	s2 =	simm.s32 @!p0 $0x3  }
0xa6: {  	_ =	swait.ge @!p0 [sflag:s2], $0x2080  }
0xa7: {  	[sflag:s2] =	ssyncset.done @!p0 $0x0  }
0xa8: {  	[sflag:s2] =	ssyncadd.s32 @!p0 $0xFFFFDF80;
	s2 =	simm.s32 @!p1 $0x3  }
0xa9: {  	[hbm:s15], [sflag:s5] =	dma.local @!p1 [spmem:s6], $0x2780  }
0xaa: {  	_ =	swait.ge @!p1 [sflag:s2], $0x2780  }
0xab: {  	[sflag:s2] =	ssyncset.done @!p1 $0x0  }
0xac: {  	[sflag:s2] =	ssyncadd.s32 @!p1 $0xFFFFD880;
	s2 =	simm.s32 @!p2 $0x1FC3  }
0xad: {  	[hbm:s18], [sflag:s2] =	dma.local @!p2 [spmem:s8], $0x2080  }
0xae: {  	s2 =	simm.s32 @!p2 $0x3  }
0xaf: {  	s0 =	sadd.s32 $0x1, s0;
	_ =	swait.ge @!p2 [sflag:s2], $0x2080  }
0xb0: {  	p4 =	sne.s32 s0, s19;
	[sflag:s2] =	ssyncset.done @!p2 $0x0  }
.Ltmp2:
0xb1: {  	[sflag:s2] =	ssyncadd.s32 @!p2 $0xFFFFDF80;
	s2 =	simm.s32 @!p3 $0x3;
	(pc) =	sbr.rel @p4 .LBB2_1-.Ltmp2, $4  }
0xb2: {  	[hbm:s17], [sflag:s3] =	dma.local @!p3 [spmem:s10], $0x2780  }
0xb3: {  	_ =	swait.ge @!p3 [sflag:s2], $0x2780  }
0xb4: {  	[sflag:s2] =	ssyncset.done @!p3 $0x0  }
0xb5: {  	[sflag:s2] =	ssyncadd.s32 @!p3 $0xFFFFD880  }
0xb6: {  	_ =	sfence.sel $0x180000  }
0xb7: {  	[bflag:$0x0] =	sbarrier.arrive $0xFFFF  }
0xb8: {  	_ =	strace $0x9000004A  }
0xb9: {  	s0 =	stileid.u32;
	[bflag:$0x2] =	sbarrier.arrive $0xFFFF  }
0xba: {  	p0 =	sne.s32 s0, $0x0;
	s0 =	rddreg [dreg:$0x3]  }
0xbb: {  	s0 =	sadd.s32 @!p0 $0x100000, s0  }
0xbc: {  	[sflag:s0] =	ssyncadd.tile.s32 @!p0 $0x1;
	_ =	shalt  }
.Lfunc_end2:
_tile_overlayer_lowered:
.L_overlay_start_2:
0xbd: {  	(tag) =	ssettag $0x2  }
0xbe: {  	s0 =	rddreg [dreg:$0x0];
	s2 =	stileid.u32  }
0xbf: {  	s1 =	rddreg [dreg:$0x1];
	p0 =	sne.s32 s2, $0x0  }
0xc0: {  	s3 =	rddreg [dreg:$0x2];
	[bflag:$0x3] =	sbarrier.arrive $0xFFFF;
	s2 =	simm.s32 @!p0 $0x1C03  }
0xc1: {  	[timem:s3], [sflag:s2] =	dma.local @!p0 [hbm:s0], s1  }
0xc2: {  	s0 =	simm.s32 @!p0 $0x3  }
0xc3: {  	_ =	swait.ge @!p0 [sflag:s0], s1  }
0xc4: {  	s1 =	ssub.s32 @!p0 $0x0, s1;
	[sflag:s0] =	ssyncset.done @!p0 $0x0  }
0xc5: {  	[sflag:s0] =	ssyncadd.s32 @!p0 s1  }
0xc6: {  	[bflag:$0x3] =	sbarrier.arrive $0xFFFF  }
0xc7: {  	_ =	shalt  }

</sc_bundles>
